<compile_context>
chip_gen: v7x
topology: tpu7x:2x2x1
jax: 0.10.2.dev20260603
libtpu: 0.0.44.dev20260713+nightly
codegen_flags: <defaults>
</compile_context>

<pallas_src>
import jax
import jax.numpy as jnp
from jax.experimental import pallas as pl

_J = 53
_JP = 56
_FB = 40
_ROWS = _FB * _JP


def _encoder_body(layer_desc, *refs):
    theta_ref, cond_ref, in_w_ref, in_b_ref = refs[:4]
    out_ref = refs[-1]
    lrefs = refs[4:-1]

    x3 = theta_ref[...]
    x3p = jnp.pad(x3, ((0, 0), (0, _JP - _J), (0, 0)))
    x = x3p.reshape(_ROWS, x3.shape[-1])
    h = jnp.dot(x, in_w_ref[...],
                preferred_element_type=jnp.float32) + in_b_ref[...]
    cond = cond_ref[...].reshape(1, -1)

    i = 0
    for (_di, _do, has_res) in layer_desc:
        pose = lrefs[i][...]; i += 1
        ln_g = lrefs[i][...]; i += 1
        ln_b = lrefs[i][...]; i += 1
        if has_res:
            res_w = lrefs[i][...]; i += 1
        g_w = lrefs[i][...]; i += 1
        g_b = lrefs[i][...]; i += 1
        b_w = lrefs[i][...]; i += 1
        b_b = lrefs[i][...]; i += 1

        mu = jnp.mean(pose, axis=-1, keepdims=True)
        var = jnp.mean(jnp.square(pose - mu), axis=-1, keepdims=True)
        normed = (pose - mu) * jax.lax.rsqrt(var + 1e-5) * ln_g + ln_b
        c = 0.5 * normed * (1.0 + jax.lax.erf(normed * (2.0 ** -0.5)))

        g = jax.nn.sigmoid(
            jnp.dot(cond, g_w, preferred_element_type=jnp.float32) + g_b)
        bta = jnp.tanh(
            jnp.dot(cond, b_w, preferred_element_type=jnp.float32) + b_b)

        res = (jnp.dot(h, res_w, preferred_element_type=jnp.float32)
               if has_res else h)
        cp = jnp.concatenate(
            [c, jnp.zeros((_JP - _J, c.shape[-1]), c.dtype)], axis=0)
        c_tiled = jnp.concatenate([cp] * _FB, axis=0)
        h = (c_tiled + res) * g + bta

    h3 = h.reshape(_FB, _JP, h.shape[-1])
    out_ref[...] = h3[:, :_J, :]


def kernel(theta, cond, in_W, in_b, layers):
    B, F, J, nf = theta.shape
    cond_dim = cond.shape[-1]
    nblk = (B * F) // _FB
    blk_per_batch = F // _FB

    theta2 = theta.reshape(B * F, J, nf)
    cond3 = cond.reshape(B, 1, cond_dim)

    layer_desc = []
    operands = [theta2, cond3, in_W, in_b.reshape(1, -1)]
    specs = [
        pl.BlockSpec((_FB, J, nf), lambda i: (i, 0, 0)),
        pl.BlockSpec((1, 1, cond_dim), lambda i: (i // blk_per_batch, 0, 0)),
        pl.BlockSpec(in_W.shape, lambda i: (0, 0)),
        pl.BlockSpec((1, in_b.shape[0]), lambda i: (0, 0)),
    ]

    def add_full(arr):
        a2 = arr.reshape(1, -1) if arr.ndim == 1 else arr
        operands.append(a2)
        specs.append(pl.BlockSpec(a2.shape, lambda i: (0,) * a2.ndim))

    for p in layers:
        do = p["pose"].shape[-1]
        has_res = p["res_W"] is not None
        di = p["res_W"].shape[0] if has_res else do
        layer_desc.append((di, do, has_res))
        add_full(p["pose"])
        add_full(p["ln_g"])
        add_full(p["ln_b"])
        if has_res:
            add_full(p["res_W"])
        add_full(p["g_W"])
        add_full(p["g_b"])
        add_full(p["b_W"])
        add_full(p["b_b"])

    d_out = layers[-1]["pose"].shape[-1]
    out = pl.pallas_call(
        lambda *refs: _encoder_body(tuple(layer_desc), *refs),
        grid=(nblk,),
        in_specs=specs,
        out_specs=pl.BlockSpec((_FB, J, d_out), lambda i: (i, 0, 0)),
        out_shape=jax.ShapeDtypeStruct((B * F, J, d_out), jnp.float32),
    )(*operands)
    return out.reshape(B, F, J, d_out)

# --- scband reference (transcript-rebuilt; emitter-appended) ---
"""Pipeline reference for scband-gnnpose-encoder-13554916786283 (READ-ONLY COPY).

The authoritative reference and input builder live on the scoring server;
editing this copy changes nothing except your own understanding.
"""

import jax, jax.numpy as jnp
import numpy as np

N_JOINTS = 53
N_EDGES = 0
DIMS = [(128, 128), (128, 256), (256, 512), (512, 512)]
B, F, J, N_FEATS, COND_DIM = 16, 120, 53, 6, 512


def setup_inputs(seed: int = 0) -> dict:
    key = jax.random.key(seed)
    ks = jax.random.split(key, 40)
    inp = {}
    inp["theta"] = jax.random.normal(ks[0], (B, F, J, N_FEATS), dtype=jnp.float32)
    inp["cond"] = jax.random.normal(ks[1], (B, COND_DIM), dtype=jnp.float32)
    inp["in_W"] = jax.random.normal(ks[2], (N_FEATS, 128), dtype=jnp.float32) * 0.1
    inp["in_b"] = jnp.zeros((128,), dtype=jnp.float32)
    layers = []
    k = 3
    for (di, do) in DIMS:
        p = {}
        p["We"] = jnp.zeros((N_EDGES, di, do), dtype=jnp.float32)
        p["pose"] = jax.random.normal(ks[k], (N_JOINTS, do), dtype=jnp.float32) * 0.02; k += 1
        p["ln_g"] = jnp.ones((do,), dtype=jnp.float32)
        p["ln_b"] = jnp.zeros((do,), dtype=jnp.float32)
        if di != do:
            p["res_W"] = jax.random.normal(ks[k], (di, do), dtype=jnp.float32) * (1.0 / np.sqrt(di))
        else:
            p["res_W"] = None
        k += 1
        p["g_W"] = jax.random.normal(ks[k], (COND_DIM, do), dtype=jnp.float32) * 0.02; k += 1
        p["g_b"] = jnp.zeros((do,), dtype=jnp.float32)
        p["b_W"] = jax.random.normal(ks[k], (COND_DIM, do), dtype=jnp.float32) * 0.02; k += 1
        p["b_b"] = jnp.zeros((do,), dtype=jnp.float32)
        layers.append(p)
    inp["layers"] = layers
    return inp


def _forward(theta, cond, in_W, in_b, layers):
    # edge lists are empty in the source module (_EDGES_SRC = _EDGES_DST = [])
    src = jnp.zeros((N_EDGES,), dtype=jnp.int32)
    dst = jnp.zeros((N_EDGES,), dtype=jnp.int32)
    h = theta @ in_W + in_b
    for p in layers:
        do = p["pose"].shape[-1]
        # AnisotropicGNNLayer
        diff = jnp.take(h, src, axis=2) - jnp.take(h, dst, axis=2)  # (B,F,E,di)
        msgs = jnp.einsum('bfei,eio->bfeo', diff, p["We"])          # (B,F,E,do)
        agg = jnp.zeros(h.shape[:3] + (do,), dtype=msgs.dtype)
        agg = agg.at[:, :, dst, :].add(msgs)                        # scatter_add over joints
        agg = agg + p["pose"]
        mu = jnp.mean(agg, axis=-1, keepdims=True)
        var = jnp.var(agg, axis=-1, keepdims=True)
        normed = (agg - mu) / jnp.sqrt(var + 1e-5) * p["ln_g"] + p["ln_b"]
        res = h if p["res_W"] is None else h @ p["res_W"]
        h = jax.nn.gelu(normed, approximate=False) + res
        # FiLM
        g = jax.nn.sigmoid(cond @ p["g_W"] + p["g_b"])[:, None, None, :]
        b = jnp.tanh(cond @ p["b_W"] + p["b_b"])[:, None, None, :]
        h = h * g + b
    return h


def reference(theta, cond, in_W, in_b, layers):
    return _forward(theta, cond, in_W, in_b, layers)

if __name__ == "__main__":
    import jax
    _d = setup_inputs()
    print(jax.jit(kernel)(*tuple(_d.values())))

</pallas_src>

<mosaic_0001>
module attributes {stable_mosaic.version = 14 : i64} {
  func.func @_lambda_(%arg0: i32, %arg1: memref<40x53x6xf32, #tpu.memory_space<vmem>>, %arg2: memref<1x1x512xf32, #tpu.memory_space<vmem>>, %arg3: memref<6x128xf32, #tpu.memory_space<vmem>>, %arg4: memref<1x128xf32, #tpu.memory_space<vmem>>, %arg5: memref<53x128xf32, #tpu.memory_space<vmem>>, %arg6: memref<1x128xf32, #tpu.memory_space<vmem>>, %arg7: memref<1x128xf32, #tpu.memory_space<vmem>>, %arg8: memref<512x128xf32, #tpu.memory_space<vmem>>, %arg9: memref<1x128xf32, #tpu.memory_space<vmem>>, %arg10: memref<512x128xf32, #tpu.memory_space<vmem>>, %arg11: memref<1x128xf32, #tpu.memory_space<vmem>>, %arg12: memref<53x256xf32, #tpu.memory_space<vmem>>, %arg13: memref<1x256xf32, #tpu.memory_space<vmem>>, %arg14: memref<1x256xf32, #tpu.memory_space<vmem>>, %arg15: memref<128x256xf32, #tpu.memory_space<vmem>>, %arg16: memref<512x256xf32, #tpu.memory_space<vmem>>, %arg17: memref<1x256xf32, #tpu.memory_space<vmem>>, %arg18: memref<512x256xf32, #tpu.memory_space<vmem>>, %arg19: memref<1x256xf32, #tpu.memory_space<vmem>>, %arg20: memref<53x512xf32, #tpu.memory_space<vmem>>, %arg21: memref<1x512xf32, #tpu.memory_space<vmem>>, %arg22: memref<1x512xf32, #tpu.memory_space<vmem>>, %arg23: memref<256x512xf32, #tpu.memory_space<vmem>>, %arg24: memref<512x512xf32, #tpu.memory_space<vmem>>, %arg25: memref<1x512xf32, #tpu.memory_space<vmem>>, %arg26: memref<512x512xf32, #tpu.memory_space<vmem>>, %arg27: memref<1x512xf32, #tpu.memory_space<vmem>>, %arg28: memref<53x512xf32, #tpu.memory_space<vmem>>, %arg29: memref<1x512xf32, #tpu.memory_space<vmem>>, %arg30: memref<1x512xf32, #tpu.memory_space<vmem>>, %arg31: memref<512x512xf32, #tpu.memory_space<vmem>>, %arg32: memref<1x512xf32, #tpu.memory_space<vmem>>, %arg33: memref<512x512xf32, #tpu.memory_space<vmem>>, %arg34: memref<1x512xf32, #tpu.memory_space<vmem>>, %arg35: memref<40x53x512xf32, #tpu.memory_space<vmem>>) attributes {dimension_semantics = [#tpu.dimension_semantics<arbitrary>], iteration_bounds = array<i64: 48>, scalar_prefetch = 0 : i64, scratch_operands = 0 : i64, tpu.core_type = #tpu.core_type<tc>, window_params = [{transform_indices = @transform_0, window_bounds = array<i64: 40, 53, 6>}, {transform_indices = @transform_1, window_bounds = array<i64: 1, 1, 512>}, {pipeline_mode = #tpu.pipeline_mode<synchronous>, transform_indices = @transform_2, window_bounds = array<i64: 6, 128>}, {pipeline_mode = #tpu.pipeline_mode<synchronous>, transform_indices = @transform_3, window_bounds = array<i64: 1, 128>}, {pipeline_mode = #tpu.pipeline_mode<synchronous>, transform_indices = @transform_4, window_bounds = array<i64: 53, 128>}, {pipeline_mode = #tpu.pipeline_mode<synchronous>, transform_indices = @transform_5, window_bounds = array<i64: 1, 128>}, {pipeline_mode = #tpu.pipeline_mode<synchronous>, transform_indices = @transform_6, window_bounds = array<i64: 1, 128>}, {pipeline_mode = #tpu.pipeline_mode<synchronous>, transform_indices = @transform_7, window_bounds = array<i64: 512, 128>}, {pipeline_mode = #tpu.pipeline_mode<synchronous>, transform_indices = @transform_8, window_bounds = array<i64: 1, 128>}, {pipeline_mode = #tpu.pipeline_mode<synchronous>, transform_indices = @transform_9, window_bounds = array<i64: 512, 128>}, {pipeline_mode = #tpu.pipeline_mode<synchronous>, transform_indices = @transform_10, window_bounds = array<i64: 1, 128>}, {pipeline_mode = #tpu.pipeline_mode<synchronous>, transform_indices = @transform_11, window_bounds = array<i64: 53, 256>}, {pipeline_mode = #tpu.pipeline_mode<synchronous>, transform_indices = @transform_12, window_bounds = array<i64: 1, 256>}, {pipeline_mode = #tpu.pipeline_mode<synchronous>, transform_indices = @transform_13, window_bounds = array<i64: 1, 256>}, {pipeline_mode = #tpu.pipeline_mode<synchronous>, transform_indices = @transform_14, window_bounds = array<i64: 128, 256>}, {pipeline_mode = #tpu.pipeline_mode<synchronous>, transform_indices = @transform_15, window_bounds = array<i64: 512, 256>}, {pipeline_mode = #tpu.pipeline_mode<synchronous>, transform_indices = @transform_16, window_bounds = array<i64: 1, 256>}, {pipeline_mode = #tpu.pipeline_mode<synchronous>, transform_indices = @transform_17, window_bounds = array<i64: 512, 256>}, {pipeline_mode = #tpu.pipeline_mode<synchronous>, transform_indices = @transform_18, window_bounds = array<i64: 1, 256>}, {pipeline_mode = #tpu.pipeline_mode<synchronous>, transform_indices = @transform_19, window_bounds = array<i64: 53, 512>}, {pipeline_mode = #tpu.pipeline_mode<synchronous>, transform_indices = @transform_20, window_bounds = array<i64: 1, 512>}, {pipeline_mode = #tpu.pipeline_mode<synchronous>, transform_indices = @transform_21, window_bounds = array<i64: 1, 512>}, {pipeline_mode = #tpu.pipeline_mode<synchronous>, transform_indices = @transform_22, window_bounds = array<i64: 256, 512>}, {pipeline_mode = #tpu.pipeline_mode<synchronous>, transform_indices = @transform_23, window_bounds = array<i64: 512, 512>}, {pipeline_mode = #tpu.pipeline_mode<synchronous>, transform_indices = @transform_24, window_bounds = array<i64: 1, 512>}, {pipeline_mode = #tpu.pipeline_mode<synchronous>, transform_indices = @transform_25, window_bounds = array<i64: 512, 512>}, {pipeline_mode = #tpu.pipeline_mode<synchronous>, transform_indices = @transform_26, window_bounds = array<i64: 1, 512>}, {pipeline_mode = #tpu.pipeline_mode<synchronous>, transform_indices = @transform_27, window_bounds = array<i64: 53, 512>}, {pipeline_mode = #tpu.pipeline_mode<synchronous>, transform_indices = @transform_28, window_bounds = array<i64: 1, 512>}, {pipeline_mode = #tpu.pipeline_mode<synchronous>, transform_indices = @transform_29, window_bounds = array<i64: 1, 512>}, {pipeline_mode = #tpu.pipeline_mode<synchronous>, transform_indices = @transform_30, window_bounds = array<i64: 512, 512>}, {pipeline_mode = #tpu.pipeline_mode<synchronous>, transform_indices = @transform_31, window_bounds = array<i64: 1, 512>}, {pipeline_mode = #tpu.pipeline_mode<synchronous>, transform_indices = @transform_32, window_bounds = array<i64: 512, 512>}, {pipeline_mode = #tpu.pipeline_mode<synchronous>, transform_indices = @transform_33, window_bounds = array<i64: 1, 512>}, {transform_indices = @transform_34, window_bounds = array<i64: 40, 53, 512>}]} {
    %get3A = arith.constant 0 : index
    %get3A_0 = arith.constant 0 : index
    %get3A_1 = arith.constant 0 : index
    %get3A_2 = vector.load %arg1[%get3A, %get3A_0, %get3A_1] : memref<40x53x6xf32, #tpu.memory_space<vmem>>, vector<40x53x6xf32>
    %jit3A = arith.constant 0 : i32
    %convert_element_type3A = arith.sitofp %jit3A : i32 to f32
    %pad3A = vector.broadcast %convert_element_type3A : f32 to vector<40x3x6xf32>
    %pad3A_3 = tpu.concatenate %get3A_2, %pad3A in 1 : vector<40x53x6xf32>, vector<40x3x6xf32> -> vector<40x56x6xf32>
    %reshape3A = vector.shape_cast %pad3A_3 : vector<40x56x6xf32> to vector<2240x6xf32>
    %get3A_4 = arith.constant 0 : index
    %get3A_5 = arith.constant 0 : index
    %get3A_6 = vector.load %arg3[%get3A_4, %get3A_5] : memref<6x128xf32, #tpu.memory_space<vmem>>, vector<6x128xf32>
    %dot_general3A = arith.constant dense<0.000000e+00> : vector<2240x128xf32>
    %dot_general3A_7 = tpu.matmul %reshape3A, %get3A_6, %dot_general3A {dimension_numbers = #tpu.dot_dimension_numbers<[1], [0], [0], [1], [0, 0, 1, 1], [], []>, transpose_lhs_hint = false} : vector<2240x6xf32>, vector<6x128xf32>, vector<2240x128xf32> -> vector<2240x128xf32>
    %get3A_8 = arith.constant 0 : index
    %get3A_9 = arith.constant 0 : index
    %get3A_10 = vector.load %arg4[%get3A_8, %get3A_9] : memref<1x128xf32, #tpu.memory_space<vmem>>, vector<1x128xf32>
    %add3A = vector.broadcast %get3A_10 : vector<1x128xf32> to vector<2240x128xf32>
    %add3A_11 = arith.addf %dot_general3A_7, %add3A : vector<2240x128xf32>
    %get3A_12 = arith.constant 0 : index
    %get3A_13 = arith.constant 0 : index
    %get3A_14 = arith.constant 0 : index
    %get3A_15 = vector.load %arg2[%get3A_12, %get3A_13, %get3A_14] : memref<1x1x512xf32, #tpu.memory_space<vmem>>, vector<1x1x512xf32>
    %reshape3A_16 = vector.shape_cast %get3A_15 : vector<1x1x512xf32> to vector<1x512xf32>
    %get3A_17 = arith.constant 0 : index
    %get3A_18 = arith.constant 0 : index
    %get3A_19 = vector.load %arg5[%get3A_17, %get3A_18] : memref<53x128xf32, #tpu.memory_space<vmem>>, vector<53x128xf32>
    %get3A_20 = arith.constant 0 : index
    %get3A_21 = arith.constant 0 : index
    %get3A_22 = vector.load %arg6[%get3A_20, %get3A_21] : memref<1x128xf32, #tpu.memory_space<vmem>>, vector<1x128xf32>
    %get3A_23 = arith.constant 0 : index
    %get3A_24 = arith.constant 0 : index
    %get3A_25 = vector.load %arg7[%get3A_23, %get3A_24] : memref<1x128xf32, #tpu.memory_space<vmem>>, vector<1x128xf32>
    %get3A_26 = arith.constant 0 : index
    %get3A_27 = arith.constant 0 : index
    %get3A_28 = vector.load %arg8[%get3A_26, %get3A_27] : memref<512x128xf32, #tpu.memory_space<vmem>>, vector<512x128xf32>
    %get3A_29 = arith.constant 0 : index
    %get3A_30 = arith.constant 0 : index
    %get3A_31 = vector.load %arg9[%get3A_29, %get3A_30] : memref<1x128xf32, #tpu.memory_space<vmem>>, vector<1x128xf32>
    %get3A_32 = arith.constant 0 : index
    %get3A_33 = arith.constant 0 : index
    %get3A_34 = vector.load %arg10[%get3A_32, %get3A_33] : memref<512x128xf32, #tpu.memory_space<vmem>>, vector<512x128xf32>
    %get3A_35 = arith.constant 0 : index
    %get3A_36 = arith.constant 0 : index
    %get3A_37 = vector.load %arg11[%get3A_35, %get3A_36] : memref<1x128xf32, #tpu.memory_space<vmem>>, vector<1x128xf32>
    %reduce_sum3A = arith.constant dense<0.000000e+00> : vector<53xf32>
    %reduce_sum3A_38 = vector.multi_reduction <add>, %get3A_19, %reduce_sum3A [1] : vector<53x128xf32> to vector<53xf32>
    %broadcast_in_dim3A = vector.shape_cast %reduce_sum3A_38 : vector<53xf32> to vector<53x1xf32>
    %div3A = arith.constant 1.280000e+02 : f32
    %div3A_39 = vector.broadcast %div3A : f32 to vector<53x1xf32>
    %div3A_40 = arith.divf %broadcast_in_dim3A, %div3A_39 : vector<53x1xf32>
    %sub3A = vector.broadcast %div3A_40 : vector<53x1xf32> to vector<53x128xf32>
    %sub3A_41 = arith.subf %get3A_19, %sub3A : vector<53x128xf32>
    %square3A = arith.mulf %sub3A_41, %sub3A_41 : vector<53x128xf32>
    %reduce_sum3A_42 = arith.constant dense<0.000000e+00> : vector<53xf32>
    %reduce_sum3A_43 = vector.multi_reduction <add>, %square3A, %reduce_sum3A_42 [1] : vector<53x128xf32> to vector<53xf32>
    %broadcast_in_dim3A_44 = vector.shape_cast %reduce_sum3A_43 : vector<53xf32> to vector<53x1xf32>
    %div3A_45 = arith.constant 1.280000e+02 : f32
    %div3A_46 = vector.broadcast %div3A_45 : f32 to vector<53x1xf32>
    %div3A_47 = arith.divf %broadcast_in_dim3A_44, %div3A_46 : vector<53x1xf32>
    %sub3A_48 = vector.broadcast %div3A_40 : vector<53x1xf32> to vector<53x128xf32>
    %sub3A_49 = arith.subf %get3A_19, %sub3A_48 : vector<53x128xf32>
    %add3A_50 = arith.constant 9.99999974E-6 : f32
    %add3A_51 = vector.broadcast %add3A_50 : f32 to vector<53x1xf32>
    %add3A_52 = arith.addf %div3A_47, %add3A_51 : vector<53x1xf32>
    %rsqrt3A = math.rsqrt %add3A_52 : vector<53x1xf32>
    %mul3A = vector.broadcast %rsqrt3A : vector<53x1xf32> to vector<53x128xf32>
    %mul3A_53 = arith.mulf %sub3A_49, %mul3A : vector<53x128xf32>
    %mul3A_54 = vector.broadcast %get3A_22 : vector<1x128xf32> to vector<53x128xf32>
    %mul3A_55 = arith.mulf %mul3A_53, %mul3A_54 : vector<53x128xf32>
    %add3A_56 = vector.broadcast %get3A_25 : vector<1x128xf32> to vector<53x128xf32>
    %add3A_57 = arith.addf %mul3A_55, %add3A_56 : vector<53x128xf32>
    %mul3A_58 = arith.constant 5.000000e-01 : f32
    %mul3A_59 = vector.broadcast %mul3A_58 : f32 to vector<53x128xf32>
    %mul3A_60 = arith.mulf %mul3A_59, %add3A_57 : vector<53x128xf32>
    %mul3A_61 = arith.constant 0.707106769 : f32
    %mul3A_62 = vector.broadcast %mul3A_61 : f32 to vector<53x128xf32>
    %mul3A_63 = arith.mulf %add3A_57, %mul3A_62 : vector<53x128xf32>
    %erf3A = math.erf %mul3A_63 : vector<53x128xf32>
    %add3A_64 = arith.constant 1.000000e+00 : f32
    %add3A_65 = vector.broadcast %add3A_64 : f32 to vector<53x128xf32>
    %add3A_66 = arith.addf %add3A_65, %erf3A : vector<53x128xf32>
    %mul3A_67 = arith.mulf %mul3A_60, %add3A_66 : vector<53x128xf32>
    %dot_general3A_68 = arith.constant dense<0.000000e+00> : vector<1x128xf32>
    %dot_general3A_69 = tpu.matmul %reshape3A_16, %get3A_28, %dot_general3A_68 {dimension_numbers = #tpu.dot_dimension_numbers<[1], [0], [0], [1], [0, 0, 1, 1], [], []>, transpose_lhs_hint = false} : vector<1x512xf32>, vector<512x128xf32>, vector<1x128xf32> -> vector<1x128xf32>
    %add3A_70 = arith.addf %dot_general3A_69, %get3A_31 : vector<1x128xf32>
    %logistic3A = arith.negf %add3A_70 : vector<1x128xf32>
    %logistic3A_71 = math.exp %logistic3A : vector<1x128xf32>
    %logistic3A_72 = arith.constant 1.000000e+00 : f32
    %logistic3A_73 = vector.broadcast %logistic3A_72 : f32 to vector<1x128xf32>
    %logistic3A_74 = arith.addf %logistic3A_73, %logistic3A_71 : vector<1x128xf32>
    %logistic3A_75 = arith.divf %logistic3A_73, %logistic3A_74 : vector<1x128xf32>
    %dot_general3A_76 = arith.constant dense<0.000000e+00> : vector<1x128xf32>
    %dot_general3A_77 = tpu.matmul %reshape3A_16, %get3A_34, %dot_general3A_76 {dimension_numbers = #tpu.dot_dimension_numbers<[1], [0], [0], [1], [0, 0, 1, 1], [], []>, transpose_lhs_hint = false} : vector<1x512xf32>, vector<512x128xf32>, vector<1x128xf32> -> vector<1x128xf32>
    %add3A_78 = arith.addf %dot_general3A_77, %get3A_37 : vector<1x128xf32>
    %tanh3A = math.tanh %add3A_78 : vector<1x128xf32>
    %broadcast_in_dim3A_79 = arith.constant 0.000000e+00 : f32
    %broadcast_in_dim3A_80 = vector.broadcast %broadcast_in_dim3A_79 : f32 to vector<3x128xf32>
    %concatenate3A = tpu.concatenate %mul3A_67, %broadcast_in_dim3A_80 in 0 : vector<53x128xf32>, vector<3x128xf32> -> vector<56x128xf32>
    %concatenate3A_81 = tpu.concatenate %concatenate3A, %concatenate3A, %concatenate3A, %concatenate3A, %concatenate3A, %concatenate3A, %concatenate3A, %concatenate3A, %concatenate3A, %concatenate3A, %concatenate3A, %concatenate3A, %concatenate3A, %concatenate3A, %concatenate3A, %concatenate3A, %concatenate3A, %concatenate3A, %concatenate3A, %concatenate3A, %concatenate3A, %concatenate3A, %concatenate3A, %concatenate3A, %concatenate3A, %concatenate3A, %concatenate3A, %concatenate3A, %concatenate3A, %concatenate3A, %concatenate3A, %concatenate3A, %concatenate3A, %concatenate3A, %concatenate3A, %concatenate3A, %concatenate3A, %concatenate3A, %concatenate3A, %concatenate3A in 0 : vector<56x128xf32>, vector<56x128xf32>, vector<56x128xf32>, vector<56x128xf32>, vector<56x128xf32>, vector<56x128xf32>, vector<56x128xf32>, vector<56x128xf32>, vector<56x128xf32>, vector<56x128xf32>, vector<56x128xf32>, vector<56x128xf32>, vector<56x128xf32>, vector<56x128xf32>, vector<56x128xf32>, vector<56x128xf32>, vector<56x128xf32>, vector<56x128xf32>, vector<56x128xf32>, vector<56x128xf32>, vector<56x128xf32>, vector<56x128xf32>, vector<56x128xf32>, vector<56x128xf32>, vector<56x128xf32>, vector<56x128xf32>, vector<56x128xf32>, vector<56x128xf32>, vector<56x128xf32>, vector<56x128xf32>, vector<56x128xf32>, vector<56x128xf32>, vector<56x128xf32>, vector<56x128xf32>, vector<56x128xf32>, vector<56x128xf32>, vector<56x128xf32>, vector<56x128xf32>, vector<56x128xf32>, vector<56x128xf32> -> vector<2240x128xf32>
    %add3A_82 = arith.addf %concatenate3A_81, %add3A_11 : vector<2240x128xf32>
    %mul3A_83 = vector.broadcast %logistic3A_75 : vector<1x128xf32> to vector<2240x128xf32>
    %mul3A_84 = arith.mulf %add3A_82, %mul3A_83 : vector<2240x128xf32>
    %add3A_85 = vector.broadcast %tanh3A : vector<1x128xf32> to vector<2240x128xf32>
    %add3A_86 = arith.addf %mul3A_84, %add3A_85 : vector<2240x128xf32>
    %get3A_87 = arith.constant 0 : index
    %get3A_88 = arith.constant 0 : index
    %get3A_89 = vector.load %arg12[%get3A_87, %get3A_88] : memref<53x256xf32, #tpu.memory_space<vmem>>, vector<53x256xf32>
    %get3A_90 = arith.constant 0 : index
    %get3A_91 = arith.constant 0 : index
    %get3A_92 = vector.load %arg13[%get3A_90, %get3A_91] : memref<1x256xf32, #tpu.memory_space<vmem>>, vector<1x256xf32>
    %get3A_93 = arith.constant 0 : index
    %get3A_94 = arith.constant 0 : index
    %get3A_95 = vector.load %arg14[%get3A_93, %get3A_94] : memref<1x256xf32, #tpu.memory_space<vmem>>, vector<1x256xf32>
    %get3A_96 = arith.constant 0 : index
    %get3A_97 = arith.constant 0 : index
    %get3A_98 = vector.load %arg15[%get3A_96, %get3A_97] : memref<128x256xf32, #tpu.memory_space<vmem>>, vector<128x256xf32>
    %get3A_99 = arith.constant 0 : index
    %get3A_100 = arith.constant 0 : index
    %get3A_101 = vector.load %arg16[%get3A_99, %get3A_100] : memref<512x256xf32, #tpu.memory_space<vmem>>, vector<512x256xf32>
    %get3A_102 = arith.constant 0 : index
    %get3A_103 = arith.constant 0 : index
    %get3A_104 = vector.load %arg17[%get3A_102, %get3A_103] : memref<1x256xf32, #tpu.memory_space<vmem>>, vector<1x256xf32>
    %get3A_105 = arith.constant 0 : index
    %get3A_106 = arith.constant 0 : index
    %get3A_107 = vector.load %arg18[%get3A_105, %get3A_106] : memref<512x256xf32, #tpu.memory_space<vmem>>, vector<512x256xf32>
    %get3A_108 = arith.constant 0 : index
    %get3A_109 = arith.constant 0 : index
    %get3A_110 = vector.load %arg19[%get3A_108, %get3A_109] : memref<1x256xf32, #tpu.memory_space<vmem>>, vector<1x256xf32>
    %reduce_sum3A_111 = arith.constant dense<0.000000e+00> : vector<53xf32>
    %reduce_sum3A_112 = vector.multi_reduction <add>, %get3A_89, %reduce_sum3A_111 [1] : vector<53x256xf32> to vector<53xf32>
    %broadcast_in_dim3A_113 = vector.shape_cast %reduce_sum3A_112 : vector<53xf32> to vector<53x1xf32>
    %div3A_114 = arith.constant 2.560000e+02 : f32
    %div3A_115 = vector.broadcast %div3A_114 : f32 to vector<53x1xf32>
    %div3A_116 = arith.divf %broadcast_in_dim3A_113, %div3A_115 : vector<53x1xf32>
    %sub3A_117 = vector.broadcast %div3A_116 : vector<53x1xf32> to vector<53x256xf32>
    %sub3A_118 = arith.subf %get3A_89, %sub3A_117 : vector<53x256xf32>
    %square3A_119 = arith.mulf %sub3A_118, %sub3A_118 : vector<53x256xf32>
    %reduce_sum3A_120 = arith.constant dense<0.000000e+00> : vector<53xf32>
    %reduce_sum3A_121 = vector.multi_reduction <add>, %square3A_119, %reduce_sum3A_120 [1] : vector<53x256xf32> to vector<53xf32>
    %broadcast_in_dim3A_122 = vector.shape_cast %reduce_sum3A_121 : vector<53xf32> to vector<53x1xf32>
    %div3A_123 = arith.constant 2.560000e+02 : f32
    %div3A_124 = vector.broadcast %div3A_123 : f32 to vector<53x1xf32>
    %div3A_125 = arith.divf %broadcast_in_dim3A_122, %div3A_124 : vector<53x1xf32>
    %sub3A_126 = vector.broadcast %div3A_116 : vector<53x1xf32> to vector<53x256xf32>
    %sub3A_127 = arith.subf %get3A_89, %sub3A_126 : vector<53x256xf32>
    %add3A_128 = arith.constant 9.99999974E-6 : f32
    %add3A_129 = vector.broadcast %add3A_128 : f32 to vector<53x1xf32>
    %add3A_130 = arith.addf %div3A_125, %add3A_129 : vector<53x1xf32>
    %rsqrt3A_131 = math.rsqrt %add3A_130 : vector<53x1xf32>
    %mul3A_132 = vector.broadcast %rsqrt3A_131 : vector<53x1xf32> to vector<53x256xf32>
    %mul3A_133 = arith.mulf %sub3A_127, %mul3A_132 : vector<53x256xf32>
    %mul3A_134 = vector.broadcast %get3A_92 : vector<1x256xf32> to vector<53x256xf32>
    %mul3A_135 = arith.mulf %mul3A_133, %mul3A_134 : vector<53x256xf32>
    %add3A_136 = vector.broadcast %get3A_95 : vector<1x256xf32> to vector<53x256xf32>
    %add3A_137 = arith.addf %mul3A_135, %add3A_136 : vector<53x256xf32>
    %mul3A_138 = arith.constant 5.000000e-01 : f32
    %mul3A_139 = vector.broadcast %mul3A_138 : f32 to vector<53x256xf32>
    %mul3A_140 = arith.mulf %mul3A_139, %add3A_137 : vector<53x256xf32>
    %mul3A_141 = arith.constant 0.707106769 : f32
    %mul3A_142 = vector.broadcast %mul3A_141 : f32 to vector<53x256xf32>
    %mul3A_143 = arith.mulf %add3A_137, %mul3A_142 : vector<53x256xf32>
    %erf3A_144 = math.erf %mul3A_143 : vector<53x256xf32>
    %add3A_145 = arith.constant 1.000000e+00 : f32
    %add3A_146 = vector.broadcast %add3A_145 : f32 to vector<53x256xf32>
    %add3A_147 = arith.addf %add3A_146, %erf3A_144 : vector<53x256xf32>
    %mul3A_148 = arith.mulf %mul3A_140, %add3A_147 : vector<53x256xf32>
    %dot_general3A_149 = arith.constant dense<0.000000e+00> : vector<1x256xf32>
    %dot_general3A_150 = tpu.matmul %reshape3A_16, %get3A_101, %dot_general3A_149 {dimension_numbers = #tpu.dot_dimension_numbers<[1], [0], [0], [1], [0, 0, 1, 1], [], []>, transpose_lhs_hint = false} : vector<1x512xf32>, vector<512x256xf32>, vector<1x256xf32> -> vector<1x256xf32>
    %add3A_151 = arith.addf %dot_general3A_150, %get3A_104 : vector<1x256xf32>
    %logistic3A_152 = arith.negf %add3A_151 : vector<1x256xf32>
    %logistic3A_153 = math.exp %logistic3A_152 : vector<1x256xf32>
    %logistic3A_154 = arith.constant 1.000000e+00 : f32
    %logistic3A_155 = vector.broadcast %logistic3A_154 : f32 to vector<1x256xf32>
    %logistic3A_156 = arith.addf %logistic3A_155, %logistic3A_153 : vector<1x256xf32>
    %logistic3A_157 = arith.divf %logistic3A_155, %logistic3A_156 : vector<1x256xf32>
    %dot_general3A_158 = arith.constant dense<0.000000e+00> : vector<1x256xf32>
    %dot_general3A_159 = tpu.matmul %reshape3A_16, %get3A_107, %dot_general3A_158 {dimension_numbers = #tpu.dot_dimension_numbers<[1], [0], [0], [1], [0, 0, 1, 1], [], []>, transpose_lhs_hint = false} : vector<1x512xf32>, vector<512x256xf32>, vector<1x256xf32> -> vector<1x256xf32>
    %add3A_160 = arith.addf %dot_general3A_159, %get3A_110 : vector<1x256xf32>
    %tanh3A_161 = math.tanh %add3A_160 : vector<1x256xf32>
    %dot_general3A_162 = arith.constant dense<0.000000e+00> : vector<2240x256xf32>
    %dot_general3A_163 = tpu.matmul %add3A_86, %get3A_98, %dot_general3A_162 {dimension_numbers = #tpu.dot_dimension_numbers<[1], [0], [0], [1], [0, 0, 1, 1], [], []>, transpose_lhs_hint = false} : vector<2240x128xf32>, vector<128x256xf32>, vector<2240x256xf32> -> vector<2240x256xf32>
    %broadcast_in_dim3A_164 = arith.constant 0.000000e+00 : f32
    %broadcast_in_dim3A_165 = vector.broadcast %broadcast_in_dim3A_164 : f32 to vector<3x256xf32>
    %concatenate3A_166 = tpu.concatenate %mul3A_148, %broadcast_in_dim3A_165 in 0 : vector<53x256xf32>, vector<3x256xf32> -> vector<56x256xf32>
    %concatenate3A_167 = tpu.concatenate %concatenate3A_166, %concatenate3A_166, %concatenate3A_166, %concatenate3A_166, %concatenate3A_166, %concatenate3A_166, %concatenate3A_166, %concatenate3A_166, %concatenate3A_166, %concatenate3A_166, %concatenate3A_166, %concatenate3A_166, %concatenate3A_166, %concatenate3A_166, %concatenate3A_166, %concatenate3A_166, %concatenate3A_166, %concatenate3A_166, %concatenate3A_166, %concatenate3A_166, %concatenate3A_166, %concatenate3A_166, %concatenate3A_166, %concatenate3A_166, %concatenate3A_166, %concatenate3A_166, %concatenate3A_166, %concatenate3A_166, %concatenate3A_166, %concatenate3A_166, %concatenate3A_166, %concatenate3A_166, %concatenate3A_166, %concatenate3A_166, %concatenate3A_166, %concatenate3A_166, %concatenate3A_166, %concatenate3A_166, %concatenate3A_166, %concatenate3A_166 in 0 : vector<56x256xf32>, vector<56x256xf32>, vector<56x256xf32>, vector<56x256xf32>, vector<56x256xf32>, vector<56x256xf32>, vector<56x256xf32>, vector<56x256xf32>, vector<56x256xf32>, vector<56x256xf32>, vector<56x256xf32>, vector<56x256xf32>, vector<56x256xf32>, vector<56x256xf32>, vector<56x256xf32>, vector<56x256xf32>, vector<56x256xf32>, vector<56x256xf32>, vector<56x256xf32>, vector<56x256xf32>, vector<56x256xf32>, vector<56x256xf32>, vector<56x256xf32>, vector<56x256xf32>, vector<56x256xf32>, vector<56x256xf32>, vector<56x256xf32>, vector<56x256xf32>, vector<56x256xf32>, vector<56x256xf32>, vector<56x256xf32>, vector<56x256xf32>, vector<56x256xf32>, vector<56x256xf32>, vector<56x256xf32>, vector<56x256xf32>, vector<56x256xf32>, vector<56x256xf32>, vector<56x256xf32>, vector<56x256xf32> -> vector<2240x256xf32>
    %add3A_168 = arith.addf %concatenate3A_167, %dot_general3A_163 : vector<2240x256xf32>
    %mul3A_169 = vector.broadcast %logistic3A_157 : vector<1x256xf32> to vector<2240x256xf32>
    %mul3A_170 = arith.mulf %add3A_168, %mul3A_169 : vector<2240x256xf32>
    %add3A_171 = vector.broadcast %tanh3A_161 : vector<1x256xf32> to vector<2240x256xf32>
    %add3A_172 = arith.addf %mul3A_170, %add3A_171 : vector<2240x256xf32>
    %get3A_173 = arith.constant 0 : index
    %get3A_174 = arith.constant 0 : index
    %get3A_175 = vector.load %arg20[%get3A_173, %get3A_174] : memref<53x512xf32, #tpu.memory_space<vmem>>, vector<53x512xf32>
    %get3A_176 = arith.constant 0 : index
    %get3A_177 = arith.constant 0 : index
    %get3A_178 = vector.load %arg21[%get3A_176, %get3A_177] : memref<1x512xf32, #tpu.memory_space<vmem>>, vector<1x512xf32>
    %get3A_179 = arith.constant 0 : index
    %get3A_180 = arith.constant 0 : index
    %get3A_181 = vector.load %arg22[%get3A_179, %get3A_180] : memref<1x512xf32, #tpu.memory_space<vmem>>, vector<1x512xf32>
    %get3A_182 = arith.constant 0 : index
    %get3A_183 = arith.constant 0 : index
    %get3A_184 = vector.load %arg23[%get3A_182, %get3A_183] : memref<256x512xf32, #tpu.memory_space<vmem>>, vector<256x512xf32>
    %get3A_185 = arith.constant 0 : index
    %get3A_186 = arith.constant 0 : index
    %get3A_187 = vector.load %arg24[%get3A_185, %get3A_186] : memref<512x512xf32, #tpu.memory_space<vmem>>, vector<512x512xf32>
    %get3A_188 = arith.constant 0 : index
    %get3A_189 = arith.constant 0 : index
    %get3A_190 = vector.load %arg25[%get3A_188, %get3A_189] : memref<1x512xf32, #tpu.memory_space<vmem>>, vector<1x512xf32>
    %get3A_191 = arith.constant 0 : index
    %get3A_192 = arith.constant 0 : index
    %get3A_193 = vector.load %arg26[%get3A_191, %get3A_192] : memref<512x512xf32, #tpu.memory_space<vmem>>, vector<512x512xf32>
    %get3A_194 = arith.constant 0 : index
    %get3A_195 = arith.constant 0 : index
    %get3A_196 = vector.load %arg27[%get3A_194, %get3A_195] : memref<1x512xf32, #tpu.memory_space<vmem>>, vector<1x512xf32>
    %reduce_sum3A_197 = arith.constant dense<0.000000e+00> : vector<53xf32>
    %reduce_sum3A_198 = vector.multi_reduction <add>, %get3A_175, %reduce_sum3A_197 [1] : vector<53x512xf32> to vector<53xf32>
    %broadcast_in_dim3A_199 = vector.shape_cast %reduce_sum3A_198 : vector<53xf32> to vector<53x1xf32>
    %div3A_200 = arith.constant 5.120000e+02 : f32
    %div3A_201 = vector.broadcast %div3A_200 : f32 to vector<53x1xf32>
    %div3A_202 = arith.divf %broadcast_in_dim3A_199, %div3A_201 : vector<53x1xf32>
    %sub3A_203 = vector.broadcast %div3A_202 : vector<53x1xf32> to vector<53x512xf32>
    %sub3A_204 = arith.subf %get3A_175, %sub3A_203 : vector<53x512xf32>
    %square3A_205 = arith.mulf %sub3A_204, %sub3A_204 : vector<53x512xf32>
    %reduce_sum3A_206 = arith.constant dense<0.000000e+00> : vector<53xf32>
    %reduce_sum3A_207 = vector.multi_reduction <add>, %square3A_205, %reduce_sum3A_206 [1] : vector<53x512xf32> to vector<53xf32>
    %broadcast_in_dim3A_208 = vector.shape_cast %reduce_sum3A_207 : vector<53xf32> to vector<53x1xf32>
    %div3A_209 = arith.constant 5.120000e+02 : f32
    %div3A_210 = vector.broadcast %div3A_209 : f32 to vector<53x1xf32>
    %div3A_211 = arith.divf %broadcast_in_dim3A_208, %div3A_210 : vector<53x1xf32>
    %sub3A_212 = vector.broadcast %div3A_202 : vector<53x1xf32> to vector<53x512xf32>
    %sub3A_213 = arith.subf %get3A_175, %sub3A_212 : vector<53x512xf32>
    %add3A_214 = arith.constant 9.99999974E-6 : f32
    %add3A_215 = vector.broadcast %add3A_214 : f32 to vector<53x1xf32>
    %add3A_216 = arith.addf %div3A_211, %add3A_215 : vector<53x1xf32>
    %rsqrt3A_217 = math.rsqrt %add3A_216 : vector<53x1xf32>
    %mul3A_218 = vector.broadcast %rsqrt3A_217 : vector<53x1xf32> to vector<53x512xf32>
    %mul3A_219 = arith.mulf %sub3A_213, %mul3A_218 : vector<53x512xf32>
    %mul3A_220 = vector.broadcast %get3A_178 : vector<1x512xf32> to vector<53x512xf32>
    %mul3A_221 = arith.mulf %mul3A_219, %mul3A_220 : vector<53x512xf32>
    %add3A_222 = vector.broadcast %get3A_181 : vector<1x512xf32> to vector<53x512xf32>
    %add3A_223 = arith.addf %mul3A_221, %add3A_222 : vector<53x512xf32>
    %mul3A_224 = arith.constant 5.000000e-01 : f32
    %mul3A_225 = vector.broadcast %mul3A_224 : f32 to vector<53x512xf32>
    %mul3A_226 = arith.mulf %mul3A_225, %add3A_223 : vector<53x512xf32>
    %mul3A_227 = arith.constant 0.707106769 : f32
    %mul3A_228 = vector.broadcast %mul3A_227 : f32 to vector<53x512xf32>
    %mul3A_229 = arith.mulf %add3A_223, %mul3A_228 : vector<53x512xf32>
    %erf3A_230 = math.erf %mul3A_229 : vector<53x512xf32>
    %add3A_231 = arith.constant 1.000000e+00 : f32
    %add3A_232 = vector.broadcast %add3A_231 : f32 to vector<53x512xf32>
    %add3A_233 = arith.addf %add3A_232, %erf3A_230 : vector<53x512xf32>
    %mul3A_234 = arith.mulf %mul3A_226, %add3A_233 : vector<53x512xf32>
    %dot_general3A_235 = arith.constant dense<0.000000e+00> : vector<1x512xf32>
    %dot_general3A_236 = tpu.matmul %reshape3A_16, %get3A_187, %dot_general3A_235 {dimension_numbers = #tpu.dot_dimension_numbers<[1], [0], [0], [1], [0, 0, 1, 1], [], []>, transpose_lhs_hint = false} : vector<1x512xf32>, vector<512x512xf32>, vector<1x512xf32> -> vector<1x512xf32>
    %add3A_237 = arith.addf %dot_general3A_236, %get3A_190 : vector<1x512xf32>
    %logistic3A_238 = arith.negf %add3A_237 : vector<1x512xf32>
    %logistic3A_239 = math.exp %logistic3A_238 : vector<1x512xf32>
    %logistic3A_240 = arith.constant 1.000000e+00 : f32
    %logistic3A_241 = vector.broadcast %logistic3A_240 : f32 to vector<1x512xf32>
    %logistic3A_242 = arith.addf %logistic3A_241, %logistic3A_239 : vector<1x512xf32>
    %logistic3A_243 = arith.divf %logistic3A_241, %logistic3A_242 : vector<1x512xf32>
    %dot_general3A_244 = arith.constant dense<0.000000e+00> : vector<1x512xf32>
    %dot_general3A_245 = tpu.matmul %reshape3A_16, %get3A_193, %dot_general3A_244 {dimension_numbers = #tpu.dot_dimension_numbers<[1], [0], [0], [1], [0, 0, 1, 1], [], []>, transpose_lhs_hint = false} : vector<1x512xf32>, vector<512x512xf32>, vector<1x512xf32> -> vector<1x512xf32>
    %add3A_246 = arith.addf %dot_general3A_245, %get3A_196 : vector<1x512xf32>
    %tanh3A_247 = math.tanh %add3A_246 : vector<1x512xf32>
    %dot_general3A_248 = arith.constant dense<0.000000e+00> : vector<2240x512xf32>
    %dot_general3A_249 = tpu.matmul %add3A_172, %get3A_184, %dot_general3A_248 {dimension_numbers = #tpu.dot_dimension_numbers<[1], [0], [0], [1], [0, 0, 1, 1], [], []>, transpose_lhs_hint = false} : vector<2240x256xf32>, vector<256x512xf32>, vector<2240x512xf32> -> vector<2240x512xf32>
    %broadcast_in_dim3A_250 = arith.constant 0.000000e+00 : f32
    %broadcast_in_dim3A_251 = vector.broadcast %broadcast_in_dim3A_250 : f32 to vector<3x512xf32>
    %concatenate3A_252 = tpu.concatenate %mul3A_234, %broadcast_in_dim3A_251 in 0 : vector<53x512xf32>, vector<3x512xf32> -> vector<56x512xf32>
    %concatenate3A_253 = tpu.concatenate %concatenate3A_252, %concatenate3A_252, %concatenate3A_252, %concatenate3A_252, %concatenate3A_252, %concatenate3A_252, %concatenate3A_252, %concatenate3A_252, %concatenate3A_252, %concatenate3A_252, %concatenate3A_252, %concatenate3A_252, %concatenate3A_252, %concatenate3A_252, %concatenate3A_252, %concatenate3A_252, %concatenate3A_252, %concatenate3A_252, %concatenate3A_252, %concatenate3A_252, %concatenate3A_252, %concatenate3A_252, %concatenate3A_252, %concatenate3A_252, %concatenate3A_252, %concatenate3A_252, %concatenate3A_252, %concatenate3A_252, %concatenate3A_252, %concatenate3A_252, %concatenate3A_252, %concatenate3A_252, %concatenate3A_252, %concatenate3A_252, %concatenate3A_252, %concatenate3A_252, %concatenate3A_252, %concatenate3A_252, %concatenate3A_252, %concatenate3A_252 in 0 : vector<56x512xf32>, vector<56x512xf32>, vector<56x512xf32>, vector<56x512xf32>, vector<56x512xf32>, vector<56x512xf32>, vector<56x512xf32>, vector<56x512xf32>, vector<56x512xf32>, vector<56x512xf32>, vector<56x512xf32>, vector<56x512xf32>, vector<56x512xf32>, vector<56x512xf32>, vector<56x512xf32>, vector<56x512xf32>, vector<56x512xf32>, vector<56x512xf32>, vector<56x512xf32>, vector<56x512xf32>, vector<56x512xf32>, vector<56x512xf32>, vector<56x512xf32>, vector<56x512xf32>, vector<56x512xf32>, vector<56x512xf32>, vector<56x512xf32>, vector<56x512xf32>, vector<56x512xf32>, vector<56x512xf32>, vector<56x512xf32>, vector<56x512xf32>, vector<56x512xf32>, vector<56x512xf32>, vector<56x512xf32>, vector<56x512xf32>, vector<56x512xf32>, vector<56x512xf32>, vector<56x512xf32>, vector<56x512xf32> -> vector<2240x512xf32>
    %add3A_254 = arith.addf %concatenate3A_253, %dot_general3A_249 : vector<2240x512xf32>
    %mul3A_255 = vector.broadcast %logistic3A_243 : vector<1x512xf32> to vector<2240x512xf32>
    %mul3A_256 = arith.mulf %add3A_254, %mul3A_255 : vector<2240x512xf32>
    %add3A_257 = vector.broadcast %tanh3A_247 : vector<1x512xf32> to vector<2240x512xf32>
    %add3A_258 = arith.addf %mul3A_256, %add3A_257 : vector<2240x512xf32>
    %get3A_259 = arith.constant 0 : index
    %get3A_260 = arith.constant 0 : index
    %get3A_261 = vector.load %arg28[%get3A_259, %get3A_260] : memref<53x512xf32, #tpu.memory_space<vmem>>, vector<53x512xf32>
    %get3A_262 = arith.constant 0 : index
    %get3A_263 = arith.constant 0 : index
    %get3A_264 = vector.load %arg29[%get3A_262, %get3A_263] : memref<1x512xf32, #tpu.memory_space<vmem>>, vector<1x512xf32>
    %get3A_265 = arith.constant 0 : index
    %get3A_266 = arith.constant 0 : index
    %get3A_267 = vector.load %arg30[%get3A_265, %get3A_266] : memref<1x512xf32, #tpu.memory_space<vmem>>, vector<1x512xf32>
    %get3A_268 = arith.constant 0 : index
    %get3A_269 = arith.constant 0 : index
    %get3A_270 = vector.load %arg31[%get3A_268, %get3A_269] : memref<512x512xf32, #tpu.memory_space<vmem>>, vector<512x512xf32>
    %get3A_271 = arith.constant 0 : index
    %get3A_272 = arith.constant 0 : index
    %get3A_273 = vector.load %arg32[%get3A_271, %get3A_272] : memref<1x512xf32, #tpu.memory_space<vmem>>, vector<1x512xf32>
    %get3A_274 = arith.constant 0 : index
    %get3A_275 = arith.constant 0 : index
    %get3A_276 = vector.load %arg33[%get3A_274, %get3A_275] : memref<512x512xf32, #tpu.memory_space<vmem>>, vector<512x512xf32>
    %get3A_277 = arith.constant 0 : index
    %get3A_278 = arith.constant 0 : index
    %get3A_279 = vector.load %arg34[%get3A_277, %get3A_278] : memref<1x512xf32, #tpu.memory_space<vmem>>, vector<1x512xf32>
    %reduce_sum3A_280 = arith.constant dense<0.000000e+00> : vector<53xf32>
    %reduce_sum3A_281 = vector.multi_reduction <add>, %get3A_261, %reduce_sum3A_280 [1] : vector<53x512xf32> to vector<53xf32>
    %broadcast_in_dim3A_282 = vector.shape_cast %reduce_sum3A_281 : vector<53xf32> to vector<53x1xf32>
    %div3A_283 = arith.constant 5.120000e+02 : f32
    %div3A_284 = vector.broadcast %div3A_283 : f32 to vector<53x1xf32>
    %div3A_285 = arith.divf %broadcast_in_dim3A_282, %div3A_284 : vector<53x1xf32>
    %sub3A_286 = vector.broadcast %div3A_285 : vector<53x1xf32> to vector<53x512xf32>
    %sub3A_287 = arith.subf %get3A_261, %sub3A_286 : vector<53x512xf32>
    %square3A_288 = arith.mulf %sub3A_287, %sub3A_287 : vector<53x512xf32>
    %reduce_sum3A_289 = arith.constant dense<0.000000e+00> : vector<53xf32>
    %reduce_sum3A_290 = vector.multi_reduction <add>, %square3A_288, %reduce_sum3A_289 [1] : vector<53x512xf32> to vector<53xf32>
    %broadcast_in_dim3A_291 = vector.shape_cast %reduce_sum3A_290 : vector<53xf32> to vector<53x1xf32>
    %div3A_292 = arith.constant 5.120000e+02 : f32
    %div3A_293 = vector.broadcast %div3A_292 : f32 to vector<53x1xf32>
    %div3A_294 = arith.divf %broadcast_in_dim3A_291, %div3A_293 : vector<53x1xf32>
    %sub3A_295 = vector.broadcast %div3A_285 : vector<53x1xf32> to vector<53x512xf32>
    %sub3A_296 = arith.subf %get3A_261, %sub3A_295 : vector<53x512xf32>
    %add3A_297 = arith.constant 9.99999974E-6 : f32
    %add3A_298 = vector.broadcast %add3A_297 : f32 to vector<53x1xf32>
    %add3A_299 = arith.addf %div3A_294, %add3A_298 : vector<53x1xf32>
    %rsqrt3A_300 = math.rsqrt %add3A_299 : vector<53x1xf32>
    %mul3A_301 = vector.broadcast %rsqrt3A_300 : vector<53x1xf32> to vector<53x512xf32>
    %mul3A_302 = arith.mulf %sub3A_296, %mul3A_301 : vector<53x512xf32>
    %mul3A_303 = vector.broadcast %get3A_264 : vector<1x512xf32> to vector<53x512xf32>
    %mul3A_304 = arith.mulf %mul3A_302, %mul3A_303 : vector<53x512xf32>
    %add3A_305 = vector.broadcast %get3A_267 : vector<1x512xf32> to vector<53x512xf32>
    %add3A_306 = arith.addf %mul3A_304, %add3A_305 : vector<53x512xf32>
    %mul3A_307 = arith.constant 5.000000e-01 : f32
    %mul3A_308 = vector.broadcast %mul3A_307 : f32 to vector<53x512xf32>
    %mul3A_309 = arith.mulf %mul3A_308, %add3A_306 : vector<53x512xf32>
    %mul3A_310 = arith.constant 0.707106769 : f32
    %mul3A_311 = vector.broadcast %mul3A_310 : f32 to vector<53x512xf32>
    %mul3A_312 = arith.mulf %add3A_306, %mul3A_311 : vector<53x512xf32>
    %erf3A_313 = math.erf %mul3A_312 : vector<53x512xf32>
    %add3A_314 = arith.constant 1.000000e+00 : f32
    %add3A_315 = vector.broadcast %add3A_314 : f32 to vector<53x512xf32>
    %add3A_316 = arith.addf %add3A_315, %erf3A_313 : vector<53x512xf32>
    %mul3A_317 = arith.mulf %mul3A_309, %add3A_316 : vector<53x512xf32>
    %dot_general3A_318 = arith.constant dense<0.000000e+00> : vector<1x512xf32>
    %dot_general3A_319 = tpu.matmul %reshape3A_16, %get3A_270, %dot_general3A_318 {dimension_numbers = #tpu.dot_dimension_numbers<[1], [0], [0], [1], [0, 0, 1, 1], [], []>, transpose_lhs_hint = false} : vector<1x512xf32>, vector<512x512xf32>, vector<1x512xf32> -> vector<1x512xf32>
    %add3A_320 = arith.addf %dot_general3A_319, %get3A_273 : vector<1x512xf32>
    %logistic3A_321 = arith.negf %add3A_320 : vector<1x512xf32>
    %logistic3A_322 = math.exp %logistic3A_321 : vector<1x512xf32>
    %logistic3A_323 = arith.constant 1.000000e+00 : f32
    %logistic3A_324 = vector.broadcast %logistic3A_323 : f32 to vector<1x512xf32>
    %logistic3A_325 = arith.addf %logistic3A_324, %logistic3A_322 : vector<1x512xf32>
    %logistic3A_326 = arith.divf %logistic3A_324, %logistic3A_325 : vector<1x512xf32>
    %dot_general3A_327 = arith.constant dense<0.000000e+00> : vector<1x512xf32>
    %dot_general3A_328 = tpu.matmul %reshape3A_16, %get3A_276, %dot_general3A_327 {dimension_numbers = #tpu.dot_dimension_numbers<[1], [0], [0], [1], [0, 0, 1, 1], [], []>, transpose_lhs_hint = false} : vector<1x512xf32>, vector<512x512xf32>, vector<1x512xf32> -> vector<1x512xf32>
    %add3A_329 = arith.addf %dot_general3A_328, %get3A_279 : vector<1x512xf32>
    %tanh3A_330 = math.tanh %add3A_329 : vector<1x512xf32>
    %broadcast_in_dim3A_331 = arith.constant 0.000000e+00 : f32
    %broadcast_in_dim3A_332 = vector.broadcast %broadcast_in_dim3A_331 : f32 to vector<3x512xf32>
    %concatenate3A_333 = tpu.concatenate %mul3A_317, %broadcast_in_dim3A_332 in 0 : vector<53x512xf32>, vector<3x512xf32> -> vector<56x512xf32>
    %concatenate3A_334 = tpu.concatenate %concatenate3A_333, %concatenate3A_333, %concatenate3A_333, %concatenate3A_333, %concatenate3A_333, %concatenate3A_333, %concatenate3A_333, %concatenate3A_333, %concatenate3A_333, %concatenate3A_333, %concatenate3A_333, %concatenate3A_333, %concatenate3A_333, %concatenate3A_333, %concatenate3A_333, %concatenate3A_333, %concatenate3A_333, %concatenate3A_333, %concatenate3A_333, %concatenate3A_333, %concatenate3A_333, %concatenate3A_333, %concatenate3A_333, %concatenate3A_333, %concatenate3A_333, %concatenate3A_333, %concatenate3A_333, %concatenate3A_333, %concatenate3A_333, %concatenate3A_333, %concatenate3A_333, %concatenate3A_333, %concatenate3A_333, %concatenate3A_333, %concatenate3A_333, %concatenate3A_333, %concatenate3A_333, %concatenate3A_333, %concatenate3A_333, %concatenate3A_333 in 0 : vector<56x512xf32>, vector<56x512xf32>, vector<56x512xf32>, vector<56x512xf32>, vector<56x512xf32>, vector<56x512xf32>, vector<56x512xf32>, vector<56x512xf32>, vector<56x512xf32>, vector<56x512xf32>, vector<56x512xf32>, vector<56x512xf32>, vector<56x512xf32>, vector<56x512xf32>, vector<56x512xf32>, vector<56x512xf32>, vector<56x512xf32>, vector<56x512xf32>, vector<56x512xf32>, vector<56x512xf32>, vector<56x512xf32>, vector<56x512xf32>, vector<56x512xf32>, vector<56x512xf32>, vector<56x512xf32>, vector<56x512xf32>, vector<56x512xf32>, vector<56x512xf32>, vector<56x512xf32>, vector<56x512xf32>, vector<56x512xf32>, vector<56x512xf32>, vector<56x512xf32>, vector<56x512xf32>, vector<56x512xf32>, vector<56x512xf32>, vector<56x512xf32>, vector<56x512xf32>, vector<56x512xf32>, vector<56x512xf32> -> vector<2240x512xf32>
    %add3A_335 = arith.addf %concatenate3A_334, %add3A_258 : vector<2240x512xf32>
    %mul3A_336 = vector.broadcast %logistic3A_326 : vector<1x512xf32> to vector<2240x512xf32>
    %mul3A_337 = arith.mulf %add3A_335, %mul3A_336 : vector<2240x512xf32>
    %add3A_338 = vector.broadcast %tanh3A_330 : vector<1x512xf32> to vector<2240x512xf32>
    %add3A_339 = arith.addf %mul3A_337, %add3A_338 : vector<2240x512xf32>
    %reshape3A_340 = vector.shape_cast %add3A_339 : vector<2240x512xf32> to vector<40x56x512xf32>
    %slice3A = vector.extract_strided_slice %reshape3A_340 {offsets = [0, 0, 0], sizes = [40, 53, 512], strides = [1, 1, 1]} : vector<40x56x512xf32> to vector<40x53x512xf32>
    %swap3A = arith.constant 0 : index
    %swap3A_341 = arith.constant 0 : index
    %swap3A_342 = arith.constant 0 : index
    %swap3A_343 = vector.load %arg35[%swap3A, %swap3A_341, %swap3A_342] : memref<40x53x512xf32, #tpu.memory_space<vmem>>, vector<40x53x512xf32>
    tpu.vector_store %arg35[%swap3A, %swap3A_341, %swap3A_342], %slice3A {strides = array<i32>} : memref<40x53x512xf32, #tpu.memory_space<vmem>>, vector<40x53x512xf32>,
    return
  }
  func.func @transform_0(%arg0: i32) -> (i32, i32, i32) {
    %c0_i32 = arith.constant 0 : i32
    %c0_i32_0 = arith.constant 0 : i32
    %c0_i32_1 = arith.constant 0 : i32
    return %arg0, %c0_i32, %c0_i32_0 : i32, i32, i32
  }
  func.func @transform_1(%arg0: i32) -> (i32, i32, i32) {
    %jit3A = arith.constant 3 : i32
    %div3A = arith.divsi %arg0, %jit3A : i32
    %sign3A = arith.constant 0 : i32
    %sign3A_0 = arith.cmpi sgt, %arg0, %sign3A : i32
    %sign3A_1 = arith.extui %sign3A_0 : i1 to i32
    %sign3A_2 = arith.constant 0 : i32
    %sign3A_3 = arith.cmpi slt, %arg0, %sign3A_2 : i32
    %sign3A_4 = arith.extui %sign3A_3 : i1 to i32
    %sign3A_5 = arith.subi %sign3A_1, %sign3A_4 : i32
    %sign3A_6 = arith.constant 0 : i32
    %sign3A_7 = arith.cmpi sgt, %jit3A, %sign3A_6 : i32
    %sign3A_8 = arith.extui %sign3A_7 : i1 to i32
    %sign3A_9 = arith.constant 0 : i32
    %sign3A_10 = arith.cmpi slt, %jit3A, %sign3A_9 : i32
    %sign3A_11 = arith.extui %sign3A_10 : i1 to i32
    %sign3A_12 = arith.subi %sign3A_8, %sign3A_11 : i32
    %ne3A = arith.cmpi ne, %sign3A_5, %sign3A_12 : i32
    %rem3A = arith.remsi %arg0, %jit3A : i32
    %ne3A_13 = arith.constant 0 : i32
    %ne3A_14 = arith.cmpi ne, %rem3A, %ne3A_13 : i32
    %and3A = arith.andi %ne3A, %ne3A_14 : i1
    %sub3A = arith.constant 1 : i32
    %sub3A_15 = arith.subi %div3A, %sub3A : i32
    %select_n3A = arith.select %and3A, %sub3A_15, %div3A : i32
    %c0_i32 = arith.constant 0 : i32
    %c0_i32_16 = arith.constant 0 : i32
    %c0_i32_17 = arith.constant 0 : i32
    return %select_n3A, %c0_i32, %c0_i32_16 : i32, i32, i32
  }
  func.func @transform_2(%arg0: i32) -> (i32, i32) {
    %c0_i32 = arith.constant 0 : i32
    %c0_i32_0 = arith.constant 0 : i32
    %c0_i32_1 = arith.constant 0 : i32
    return %c0_i32, %c0_i32_0 : i32, i32
  }
  func.func @transform_3(%arg0: i32) -> (i32, i32) {
    %c0_i32 = arith.constant 0 : i32
    %c0_i32_0 = arith.constant 0 : i32
    %c0_i32_1 = arith.constant 0 : i32
    return %c0_i32, %c0_i32_0 : i32, i32
  }
  func.func @transform_4(%arg0: i32) -> (i32, i32) {
    %c0_i32 = arith.constant 0 : i32
    %c0_i32_0 = arith.constant 0 : i32
    %c0_i32_1 = arith.constant 0 : i32
    return %c0_i32, %c0_i32_0 : i32, i32
  }
  func.func @transform_5(%arg0: i32) -> (i32, i32) {
    %c0_i32 = arith.constant 0 : i32
    %c0_i32_0 = arith.constant 0 : i32
    %c0_i32_1 = arith.constant 0 : i32
    return %c0_i32, %c0_i32_0 : i32, i32
  }
  func.func @transform_6(%arg0: i32) -> (i32, i32) {
    %c0_i32 = arith.constant 0 : i32
    %c0_i32_0 = arith.constant 0 : i32
    %c0_i32_1 = arith.constant 0 : i32
    return %c0_i32, %c0_i32_0 : i32, i32
  }
  func.func @transform_7(%arg0: i32) -> (i32, i32) {
    %c0_i32 = arith.constant 0 : i32
    %c0_i32_0 = arith.constant 0 : i32
    %c0_i32_1 = arith.constant 0 : i32
    return %c0_i32, %c0_i32_0 : i32, i32
  }
  func.func @transform_8(%arg0: i32) -> (i32, i32) {
    %c0_i32 = arith.constant 0 : i32
    %c0_i32_0 = arith.constant 0 : i32
    %c0_i32_1 = arith.constant 0 : i32
    return %c0_i32, %c0_i32_0 : i32, i32
  }
  func.func @transform_9(%arg0: i32) -> (i32, i32) {
    %c0_i32 = arith.constant 0 : i32
    %c0_i32_0 = arith.constant 0 : i32
    %c0_i32_1 = arith.constant 0 : i32
    return %c0_i32, %c0_i32_0 : i32, i32
  }
  func.func @transform_10(%arg0: i32) -> (i32, i32) {
    %c0_i32 = arith.constant 0 : i32
    %c0_i32_0 = arith.constant 0 : i32
    %c0_i32_1 = arith.constant 0 : i32
    return %c0_i32, %c0_i32_0 : i32, i32
  }
  func.func @transform_11(%arg0: i32) -> (i32, i32) {
    %c0_i32 = arith.constant 0 : i32
    %c0_i32_0 = arith.constant 0 : i32
    %c0_i32_1 = arith.constant 0 : i32
    return %c0_i32, %c0_i32_0 : i32, i32
  }
  func.func @transform_12(%arg0: i32) -> (i32, i32) {
    %c0_i32 = arith.constant 0 : i32
    %c0_i32_0 = arith.constant 0 : i32
    %c0_i32_1 = arith.constant 0 : i32
    return %c0_i32, %c0_i32_0 : i32, i32
  }
  func.func @transform_13(%arg0: i32) -> (i32, i32) {
    %c0_i32 = arith.constant 0 : i32
    %c0_i32_0 = arith.constant 0 : i32
    %c0_i32_1 = arith.constant 0 : i32
    return %c0_i32, %c0_i32_0 : i32, i32
  }
  func.func @transform_14(%arg0: i32) -> (i32, i32) {
    %c0_i32 = arith.constant 0 : i32
    %c0_i32_0 = arith.constant 0 : i32
    %c0_i32_1 = arith.constant 0 : i32
    return %c0_i32, %c0_i32_0 : i32, i32
  }
  func.func @transform_15(%arg0: i32) -> (i32, i32) {
    %c0_i32 = arith.constant 0 : i32
    %c0_i32_0 = arith.constant 0 : i32
    %c0_i32_1 = arith.constant 0 : i32
    return %c0_i32, %c0_i32_0 : i32, i32
  }
  func.func @transform_16(%arg0: i32) -> (i32, i32) {
    %c0_i32 = arith.constant 0 : i32
    %c0_i32_0 = arith.constant 0 : i32
    %c0_i32_1 = arith.constant 0 : i32
    return %c0_i32, %c0_i32_0 : i32, i32
  }
  func.func @transform_17(%arg0: i32) -> (i32, i32) {
    %c0_i32 = arith.constant 0 : i32
    %c0_i32_0 = arith.constant 0 : i32
    %c0_i32_1 = arith.constant 0 : i32
    return %c0_i32, %c0_i32_0 : i32, i32
  }
  func.func @transform_18(%arg0: i32) -> (i32, i32) {
    %c0_i32 = arith.constant 0 : i32
    %c0_i32_0 = arith.constant 0 : i32
    %c0_i32_1 = arith.constant 0 : i32
    return %c0_i32, %c0_i32_0 : i32, i32
  }
  func.func @transform_19(%arg0: i32) -> (i32, i32) {
    %c0_i32 = arith.constant 0 : i32
    %c0_i32_0 = arith.constant 0 : i32
    %c0_i32_1 = arith.constant 0 : i32
    return %c0_i32, %c0_i32_0 : i32, i32
  }
  func.func @transform_20(%arg0: i32) -> (i32, i32) {
    %c0_i32 = arith.constant 0 : i32
    %c0_i32_0 = arith.constant 0 : i32
    %c0_i32_1 = arith.constant 0 : i32
    return %c0_i32, %c0_i32_0 : i32, i32
  }
  func.func @transform_21(%arg0: i32) -> (i32, i32) {
    %c0_i32 = arith.constant 0 : i32
    %c0_i32_0 = arith.constant 0 : i32
    %c0_i32_1 = arith.constant 0 : i32
    return %c0_i32, %c0_i32_0 : i32, i32
  }
  func.func @transform_22(%arg0: i32) -> (i32, i32) {
    %c0_i32 = arith.constant 0 : i32
    %c0_i32_0 = arith.constant 0 : i32
    %c0_i32_1 = arith.constant 0 : i32
    return %c0_i32, %c0_i32_0 : i32, i32
  }
  func.func @transform_23(%arg0: i32) -> (i32, i32) {
    %c0_i32 = arith.constant 0 : i32
    %c0_i32_0 = arith.constant 0 : i32
    %c0_i32_1 = arith.constant 0 : i32
    return %c0_i32, %c0_i32_0 : i32, i32
  }
  func.func @transform_24(%arg0: i32) -> (i32, i32) {
    %c0_i32 = arith.constant 0 : i32
    %c0_i32_0 = arith.constant 0 : i32
    %c0_i32_1 = arith.constant 0 : i32
    return %c0_i32, %c0_i32_0 : i32, i32
  }
  func.func @transform_25(%arg0: i32) -> (i32, i32) {
    %c0_i32 = arith.constant 0 : i32
    %c0_i32_0 = arith.constant 0 : i32
    %c0_i32_1 = arith.constant 0 : i32
    return %c0_i32, %c0_i32_0 : i32, i32
  }
  func.func @transform_26(%arg0: i32) -> (i32, i32) {
    %c0_i32 = arith.constant 0 : i32
    %c0_i32_0 = arith.constant 0 : i32
    %c0_i32_1 = arith.constant 0 : i32
    return %c0_i32, %c0_i32_0 : i32, i32
  }
  func.func @transform_27(%arg0: i32) -> (i32, i32) {
    %c0_i32 = arith.constant 0 : i32
    %c0_i32_0 = arith.constant 0 : i32
    %c0_i32_1 = arith.constant 0 : i32
    return %c0_i32, %c0_i32_0 : i32, i32
  }
  func.func @transform_28(%arg0: i32) -> (i32, i32) {
    %c0_i32 = arith.constant 0 : i32
    %c0_i32_0 = arith.constant 0 : i32
    %c0_i32_1 = arith.constant 0 : i32
    return %c0_i32, %c0_i32_0 : i32, i32
  }
  func.func @transform_29(%arg0: i32) -> (i32, i32) {
    %c0_i32 = arith.constant 0 : i32
    %c0_i32_0 = arith.constant 0 : i32
    %c0_i32_1 = arith.constant 0 : i32
    return %c0_i32, %c0_i32_0 : i32, i32
  }
  func.func @transform_30(%arg0: i32) -> (i32, i32) {
    %c0_i32 = arith.constant 0 : i32
    %c0_i32_0 = arith.constant 0 : i32
    %c0_i32_1 = arith.constant 0 : i32
    return %c0_i32, %c0_i32_0 : i32, i32
  }
  func.func @transform_31(%arg0: i32) -> (i32, i32) {
    %c0_i32 = arith.constant 0 : i32
    %c0_i32_0 = arith.constant 0 : i32
    %c0_i32_1 = arith.constant 0 : i32
    return %c0_i32, %c0_i32_0 : i32, i32
  }
  func.func @transform_32(%arg0: i32) -> (i32, i32) {
    %c0_i32 = arith.constant 0 : i32
    %c0_i32_0 = arith.constant 0 : i32
    %c0_i32_1 = arith.constant 0 : i32
    return %c0_i32, %c0_i32_0 : i32, i32
  }
  func.func @transform_33(%arg0: i32) -> (i32, i32) {
    %c0_i32 = arith.constant 0 : i32
    %c0_i32_0 = arith.constant 0 : i32
    %c0_i32_1 = arith.constant 0 : i32
    return %c0_i32, %c0_i32_0 : i32, i32
  }
  func.func @transform_34(%arg0: i32) -> (i32, i32, i32) {
    %c0_i32 = arith.constant 0 : i32
    %c0_i32_0 = arith.constant 0 : i32
    %c0_i32_1 = arith.constant 0 : i32
    return %arg0, %c0_i32, %c0_i32_0 : i32, i32, i32
  }
}

</mosaic_0001>

<sc_bundles>
// kernel: sparse-core-data-format-call.cloned.1.call-start
scs
called_computation_lowered:
.L_overlay_start_0:
0x0: {  	s2 =	sld [smem:$0x3FD9]  }
0x1: {  	s3 =	sld [smem:$0x3FFE];
	_ =	sdelay $0x1  }
0x2: {  	s1 =	srdreg.scid  }
0x3: {  	s0 =	sand.u32 $0x1, s1  }
0x4: {  	s18 =	sshll.u32 s0, $0xA;
	s2 =	sadd.s32 s3, s2  }
0x5: {  	s2 =	sadd.s32 s2, s18  }
0x6: {  	[smem:$0x3FA6] =	sst s2  }
0x7: {  	_ = 	snop  }
0x8: {  	s2 =	sld [smem:$0x3FD0];
	(tm) =	ssettm $0x1  }
0x9: {  	s19 =	sld [smem:$0x3FFB];
	_ =	sdelay $0x3  }
0xa: {  	_ =	strace s19  }
0xb: {  	s3 =	sld [smem:$0x3FFC];
	_ =	sdelay $0x3  }
0xc: {  	_ =	strace s3  }
0xd: {  	s3 =	sld [smem:$0x3FFD];
	_ =	sdelay $0x3  }
0xe: {  	_ =	strace s3  }
0xf: {  	_ =	strace $0x8FFFFFFF  }
0x10: {  	s20 =	sld [smem:$0x3FDB];
	_ =	sdelay $0x1  }
0x11: {  	s4 =	simm.s32 $_scs_section_size  }
0x12: {  	s5 =	simm.s32 $_size__tile_overlayer_lowered;
	s6 =	simm.s32 $_tile_overlayer_lowered  }
0x13: {  	s23 =	simm.s32 $0x1BFF;
	s22 =	sshll.u32 s6, $0x1;
	s3 =	sadd.s32 s4, s20  }
0x14: {  	s7 =	simm.s32 $0x0;
	s21 =	sshll.u32 s5, $0x1;
	s5 =	sadd.s32 s22, s3  }
0x15: {  	[timem:s7], [sflag:s23] =	dma.local [hbm:s5], s21  }
0x16: {  	_ =	swait.ge [sflag:s23], s21  }
0x17: {  	s4 =	ssub.s32 $0x0, s21;
	[sflag:s23] =	ssyncset.done $0x0  }
0x18: {  	[sflag:s23] =	ssyncadd.s32 s4;
	_ =	sdelay $0x1  }
0x19: {  	s24 =	simm.s32 $0x1B8B  }
0x1a: {  	_ =	swait.ge [sflag:s24], $0x1  }
0x1b: {  	[sflag:s24] =	ssyncset.done $0x0  }
0x1c: {  	s26 =	simm.s32 $0x1B8E;
	s25 =	sld [smem:$0x3FFE];
	[sflag:s24] =	ssyncadd.s32 $0xFFFFFFFF  }
0x1d: {  	s27 =	simm.s32 $execute0_lowered;
	[smem:$0x3FD2] =	sst s26  }
0x1e: {  	s5 =	sshll.u32 s27, $0x1;
	_ =	strace $0x80000046;
	[dreg:$0x1] =	wrdreg $0xFFFFFFFF  }
0x1f: {  	s28 =	simm.s32 $_size_execute0_lowered;
	s3 =	sadd.s32 s3, s5;
	[dreg:$0x0] =	wrdreg $0x0  }
0x20: {  	s5 =	sshll.u32 s28, $0x1;
	[dreg:$0x2] =	wrdreg s3  }
0x21: {  	[dreg:$0x3] =	wrdreg s5  }
0x22: {  	[dreg:$0x4] =	wrdreg $0xC0  }
0x23: {  	_ =	task [dreg:s7], $0x5FFFF  }
0x24: {  	[dreg:$0x1] =	wrdreg $0xFFFFFFFF  }
0x25: {  	[dreg:$0x0] =	wrdreg $0x60  }
0x26: {  	[dreg:$0x2] =	wrdreg s25  }
0x27: {  	[dreg:$0x3] =	wrdreg s2  }
0x28: {  	[dreg:$0x4] =	wrdreg $0x9  }
0x29: {  	_ =	task.clear_ibuf [dreg:s7], $0x5FFFF;
	_ =	strace $0x90000046  }
0x2a: {  	s29 =	simm.s32 $0x9;
	_ =	strace $0x80000048  }
0x2b: {  	_ =	swait.ge [sflag:s29], $0x1  }
0x2c: {  	[sflag:s29] =	ssyncadd.s32 $0xFFFFFFFF  }
0x2d: {  	_ =	strace $0x90000048  }
0x2e: {  	_ =	sfence  }
0x2f: {  	s30 =	sld [smem:$0x0];
	_ =	sdelay $0x2  }
0x30: {  	s31 =	sshll.u32 s1, $0xD;
	s1 =	sshrl.u32 s1, $0x2  }
0x31: {  	s3 =	sand.u32 $0x4000, s31;
	s1 =	sadd.s32 s1, s30  }
0x32: {  	s0 =	sor.u32 s3, s0;
	s1 =	sshll.u32 s1, $0x11  }
0x33: {  	s0 =	sor.u32 s1, s0  }
0x34: {  	s0 =	sadd.s32 $0x8F2B, s0  }
0x35: {  	[sflag:s0] =	ssyncadd.remote.s32 $0x1  }
0x36: {  	_ =	sfence.sel $0xFFFF  }
0x37: {  	[dreg:$0x0] =	wrdreg $0xFFFFFFFF;
	(pc) =	sbr.abs _section_cstart, $3  }
0x38: {  	[dreg:$0x1] =	wrdreg $0xFFFFFFFF  }
0x39: {  	_ =	task.clear_ibuf [dreg:s7], $0x2FFFF;
	_ =	strace $0x9FFFFFFF  }
0x3a: {  	(tm) =	ssettm $0x7FFFFFFF  }
0x3b: {  	_ =	shalt  }
tec
execute0_lowered:
.L_overlay_start_1:
0x0: {  	(tag) =	ssettag $0x1  }
0x1: {  	s0 =	srdreg.scid;
	s2 =	rddreg [dreg:$0x0];
	_ =	strace $0x80000047  }
0x2: {  	s5 =	simm.s32 $0x1;
	s31 =	simm.s32 $0x2;
	s24 =	stileid.u32  }
0x3: {  	s20 =	simm.s32 $0x0;
	s11 =	simm.s32 $0x0;
	s0 =	sshll.u32 s0, $0x8  }
0x4: {  	s19 =	simm.s32 $0x0;
	s21 =	simm.s32 $0x0;
	s1 =	sand.u32 $0x100, s0  }
0x5: {  	s22 =	simm.s32 $0x0;
	s12 =	simm.s32 $0x0;
	s0 =	ssub.s32 $0x200, s1  }
0x6: {  	s13 =	simm.s32 $0x0;
	s14 =	simm.s32 $0x0;
	s3 =	sshrl.u32 s0, $0x8  }
.Ltmp0:
0x7: {  	s0 =	sshrl.u32 s0, $0x9;
	s3 =	sand.u32 $0x1, s3;
	(pc) =	sbr.rel .LBB1_1-.Ltmp0, $4  }
0x8: {  	s15 =	simm.s32 $0x0;
	s16 =	simm.s32 $0x0;
	s0 =	sadd.s32 s0, s3  }
0x9: {  	s17 =	stileid.u32;
	s18 =	simm.s32 $0x0;
	s6 =	smul.u32 $0x69, s0  }
0xa: {  	s28 =	simm.s32 $0x0;
	s4 =	sadd.s32 $0x4400, s2;
	[sflag:s5] =	ssyncpa.u1 $0x0  }
0xb: {  	[sflag:s31] =	ssyncpa.u1 $0x0;
	s7 =	sshll.u32 s1, $0x3;
	s8 =	sadd.s32 $0x1, s6  }
.LBB1_7:
0xc: {  	p0 =	slt.u32 s18, $0x2;
	s0 =	smov.u32 s21  }
0xd: {  	s3 =	smov.u32 s20;
	s9 =	smov.u32 s19;
	p1 =	sgt.s32 @!p0 s21, $0xF  }
0xe: {  	s2 =	sshra.s32 @!p0 s21, $0x1F;
	p2 =	sgt.s32 @!p0 s19, $0x70;
	s10 =	sshra.s32 @!p0 s19, $0x1F  }
0xf: {  	p1 =	por !p1, p0;
	s2 =	sand.u32 @!p0 s2, s21;
	p2 =	por !p2, p0  }
0x10: {  	s10 =	sand.u32 @!p0 s10, s19;
	s0 =	simm.s32 @p1 $0xF;
	p1 =	sgt.s32 @!p0 s20, $0x2D  }
0x11: {  	s0 =	ssub.s32 @!p0 s0, s2;
	p1 =	por !p1, p0;
	s2 =	sshra.s32 @!p0 s20, $0x1F  }
0x12: {  	s9 =	simm.s32 @p2 $0x70;
	s2 =	sand.u32 @!p0 s2, s20;
	s3 =	simm.s32 @p1 $0x2D  }
0x13: {  	s0 =	sadd.s32 @!p0 $0xFFFFFFF1, s0;
	s2 =	ssub.s32 @!p0 s3, s2;
	s3 =	ssub.s32 @!p0 s9, s10  }
0x14: {  	p1 =	sgt.s32 @!p0 s0, $0x0;
	s0 =	sshll.u32 @!p0 s0, $0x8;
	s10 =	sadd.s32 @!p0 $0xFFFFFF90, s3  }
0x15: {  	s9 =	sadd.s32 @!p0 $0xFFFFFFD3, s2;
	s3 =	ssub.s32 @!p0 $0x78, s3;
	p2 =	sgt.s32 @!p0 s10, $0x7  }
0x16: {  	s0 =	ssub.s32 @!p0 $0x100, s0;
	p1 =	por !p1, p0;
	p2 =	por !p2, p0  }
0x17: {  	s0 =	simm.s32 @!p1 $0x0;
	s3 =	simm.s32 @!p2 $0x0;
	p2 =	sgt.s32 @!p0 s9, $0x7  }
0x18: {  	s2 =	ssub.s32 @!p0 $0x35, s2;
	p1 =	por !p2, p0;
	s0 =	smul.u32 @!p0 s3, s0  }
0x19: {  	s2 =	simm.s32 @!p1 $0x0  }
0x1a: {  	s0 =	smul.u32 @!p0 s2, s0;
	s2 =	sadd.s32 $0x8, s15  }
0x1b: {  	s9 =	smov.u32 s16;
	s3 =	sadd.s32 $0x8, s16;
	p1 =	sgt.s32 s2, $0x34  }
0x1c: {  	s23 =	smov.u32 s17;
	s9 =	smov.u32 @p1 s3  }
0x1d: {  	s11 =	sadd.s32 $0x4000, s11;
	s3 =	sadd.s32 $0x10, s17;
	p2 =	sgt.s32 s9, $0x77  }
0x1e: {  	s22 =	smov.u32 s1;
	s19 =	smov.u32 s13;
	s23 =	smov.u32 @p2 s3  }
0x1f: {  	s21 =	smov.u32 s14;
	s2 =	simm.s32 @p1 $0x0;
	p1 =	sgt.s32 s23, $0xF  }
0x20: {  	s13 =	smov.u32 s16;
	s23 =	smov.u32 @p1 s24;
	p1 =	sne.s32 s18, s8  }
.Ltmp1:
0x21: {  	s10 =	simm.s32 @!p0 $0x2;
	s0 =	sand.u32 @!p0 $0x3FFFFF00, s0;
	(pc) =	sbr.rel @!p1 .LBB1_8-.Ltmp1, $4  }
0x22: {  	s14 =	smov.u32 s17;
	s20 =	smov.u32 s12;
	_ =	swait.ge @!p0 [sflag:s10], s0  }
0x23: {  	s12 =	smov.u32 s15;
	s0 =	ssub.s32 @!p0 $0x0, s0;
	[sflag:s10] =	ssyncset.done @!p0 $0x0  }
0x24: {  	s15 =	smov.u32 s2;
	s9 =	simm.s32 @p2 $0x0;
	[sflag:s10] =	ssyncadd.s32 @!p0 s0  }
0x25: {  	s16 =	smov.u32 s9;
	s18 =	sadd.s32 $0x1, s18;
	s17 =	smov.u32 s23  }
.LBB1_1:
0x26: {  	p0 =	sge.u32 s18, s6  }
0x27: {  	s0 =	sshll.u32 @!p0 s15, $0x9  }
0x28: {  	s2 =	sshll.u32 @!p0 s15, $0x7;
	s0 =	sand.u32 @!p0 $0xFFFFF000, s0  }
0x29: {  	s2 =	sand.u32 @!p0 $0x200, s2;
	s0 =	sor.u32 @!p0 s7, s0  }
0x2a: {  	s0 =	sor.u32 @!p0 s2, s0  }
0x2b: {  	s0 =	sshrl.u32 @!p0 s0, $0x9  }
0x2c: {  	s2 =	smulhi.u32 @!p0 $0x4924925, s0  }
0x2d: {  	s3 =	smul.u32 @!p0 $0x69000, s17  }
0x2e: {  	s2 =	smul.u32 @!p0 $0x38, s2  }
0x2f: {  	s31 =	sadd.s32 $0xFFFFFFFF, s18;
	s9 =	sxor.u32 @!p0 $0xFFFFFFFF, s18;
	s10 =	smul.u32 @!p0 $0xE00, s16  }
0x30: {  	s3 =	sadd.s32 @!p0 s4, s3;
	s0 =	ssub.s32 @!p0 s0, s2;
	s2 =	sshll.u32 @!p0 s15, $0x4  }
0x31: {  	s9 =	sshll.u32 @!p0 s9, $0xE;
	s3 =	sadd.s32 @!p0 s10, s3;
	s2 =	sand.u32 @!p0 $0x30, s2  }
0x32: {  	s9 =	sand.u32 @!p0 $0x4000, s9;
	s0 =	sshll.u32 @!p0 s0, $0x6;
	s2 =	sadd.s32 @!p0 s2, s3  }
0x33: {  	s3 =	simm.s32 @!p0 $0x7000;
	s0 =	sadd.s32 @!p0 s0, s2;
	s2 =	simm.s32 @!p0 $0x800  }
0x34: {  	[tilespmem:s9], [sflag:$0x1] =	stream.strided.gather @!p0 [hbm4b:s0+s2], $0x4000, s3, s2, $0x38;
	[tilespmem:$0x10000] =	vst v63  }
0x35: {  	p0 =	sge.u32 s31, s6  }
.Ltmp2:
0x36: {  	_ = 	snop;
	(pc) =	sbr.rel @p0 .LBB1_7-.Ltmp2, $1  }
0x37: {  	_ =	sdelay $0x3  }
0x38: {  	s0 =	sshll.u32 s11, $0x2;
	_ =	swait.ge [sflag:s5], $0x4000;
	s3 =	sshll.u32 s18, $0xE  }
0x39: {  	p0 =	por $0x0, $0x0;
	s29 =	simm.s32 $0x0;
	s30 =	simm.s32 $0x0  }
0x3a: {  	s0 =	sand.u32 $0x10000, s0;
	[sflag:s5] =	ssyncset.done $0x0;
	s26 =	sand.u32 $0x4000, s3  }
0x3b: {  	s0 =	sshrl.u32 s0, $0x2;
	[sflag:s5] =	ssyncadd.s32 $0xFFFFC000;
	s23 =	sor.u32 $0x8000, s26  }
0x3c: {  	s24 =	sor.u32 $0x40, s0;
	s2 =	sor.u32 $0x8410, s0;
	s27 =	sadd.s32 $0x8400, s0  }
.LBB1_3:
0x3d: {  	v1 =	vld [tilespmem:s24+$0xFFFFFFD0]  }
0x3e: {  	v2 =	vld [tilespmem:s24+$0x430]  }
0x3f: {  	s0 =	sshll.u32 s30, $0xB;
	v4 =	vld [tilespmem:s24+$0xFFFFFFE0]  }
0x40: {  	v7 =	vld [tilespmem:s24+$0xFFFFFFF0];
	v0 =	vmov s0  }
0x41: {  	v8 =	vld [tilespmem:s24+$0x0]  }
0x42: {  	s10 =	sand.u32 $0x300, s28;
	v9 =	vld [tilespmem:s24+$0x10]  }
0x43: {  	s3 =	sand.u32 $0x80, s28;
	v10 =	vld [tilespmem:s24+$0x20];
	s0 =	sadd.s32 s10, s26  }
0x44: {  	v11 =	vld [tilespmem:s24+$0x30];
	s0 =	sadd.s32 s3, s0;
	s3 =	simm.s32 $0x1;
	[tilespmem:s2+$0x60] =	vst v2  }
0x45: {  	s25 =	sshll.u32 s29, $0x2;
	s3 =	simm.s32 @!p0 $0x0;
	[tilespmem:s2+$0xFFFFFC00] =	vst v1;
	v3 =	vld.idx.msk [tilespmem:v0+s0+$0x400 ss:$0x1], $0xffff  }
0x46: {  	v6 =	vld [tilespmem:s24+$0x3D0];
	s3 =	sshll.u32 s3, $0x9;
	[tilespmem:s2+$0xFFFFFC10] =	vst v4;
	s0 =	sand.u32 $0xFFFFFC00, s25  }
0x47: {  	v5 =	vld [tilespmem:s24+$0x3E0];
	[tilespmem:s2+$0xFFFFFC20] =	vst v7;
	s0 =	sor.u32 s3, s0  }
0x48: {  	[tilespmem:s2+$0xFFFFFC30] =	vst v8;
	v4 =	vld [tilespmem:s24+$0x400];
	s0 =	sshrl.u32 s0, $0x2  }
0x49: {  	[tilespmem:s2+$0xFFFFFC40] =	vst v9;
	v1 =	vld [tilespmem:s24+$0x410];
	s31 =	sadd.s32 s0, s27  }
0x4a: {  	[tilespmem:s31+$0x0] =	vst v3;
	v3 =	vld [tilespmem:s24+$0x3F0]  }
0x4b: {  	s9 =	simm.s32 $0x100;
	s10 =	simm.s32 $0x80;
	[tilespmem:s2+$0xFFFFFC50] =	vst v10;
	v2 =	vld [tilespmem:s24+$0x420]  }
0x4c: {  	v7 =	vld [tilespmem:s24+$0xFFFFFFC0];
	[tilespmem:s2+$0xFFFFFC60] =	vst v11;
	s25 =	smov.u32 s2;
	s3 =	sand.u32 $0x300, s10;
	s0 =	sadd.s32 $0x80, s24  }
.LBB1_4:
0x4d: {  	p1 =	sne.s32 s9, $0x380;
	v8 =	vld [tilespmem:s0+$0xFFFFFFD0];
	s10 =	sand.u32 $0x80, s10;
	s3 =	sadd.s32 s3, s26;
	[tilespmem:s25+$0x0] =	vst v6  }
0x4e: {  	s3 =	sadd.s32 s10, s3;
	v6 =	vld [tilespmem:s0+$0x430];
	[tilespmem:s25+$0x10] =	vst v5;
	s10 =	smov.u32 s9  }
0x4f: {  	v5 =	vld.idx.msk [tilespmem:v0+s3+$0x400 ss:$0x1], $0xffff;
	[tilespmem:s25+$0x20] =	vst v3  }
0x50: {  	v3 =	vld [tilespmem:s0+$0xFFFFFFE0];
	[tilespmem:s25+$0x30] =	vst v4  }
0x51: {  	v4 =	vld [tilespmem:s0+$0xFFFFFFF0];
	[tilespmem:s25+$0xFFFFFBF0] =	vst v7  }
0x52: {  	v7 =	vld [tilespmem:s0+$0x0];
	[tilespmem:s25+$0x40] =	vst v1  }
0x53: {  	v1 =	vld [tilespmem:s0+$0x10];
	[tilespmem:s25+$0x50] =	vst v2;
	s25 =	sadd.s32 $0x800, s25  }
0x54: {  	s31 =	sadd.s32 $0x800, s31;
	v2 =	vld [tilespmem:s0+$0x20];
	[tilespmem:s25+$0x60] =	vst v6  }
0x55: {  	v9 =	vld [tilespmem:s0+$0x30];
	[tilespmem:s31+$0x0] =	vst v5  }
0x56: {  	[tilespmem:s25+$0xFFFFFC00] =	vst v8;
	v6 =	vld [tilespmem:s0+$0x3D0]  }
0x57: {  	[tilespmem:s25+$0xFFFFFC10] =	vst v3;
	v5 =	vld [tilespmem:s0+$0x3E0]  }
.Ltmp3:
0x58: {  	[tilespmem:s25+$0xFFFFFC20] =	vst v4;
	v3 =	vld [tilespmem:s0+$0x3F0];
	(pc) =	sbr.rel @p1 .LBB1_4-.Ltmp3, $4  }
0x59: {  	[tilespmem:s25+$0xFFFFFC30] =	vst v7;
	v4 =	vld [tilespmem:s0+$0x400]  }
0x5a: {  	[tilespmem:s25+$0xFFFFFC40] =	vst v1;
	v1 =	vld [tilespmem:s0+$0x410]  }
0x5b: {  	[tilespmem:s25+$0xFFFFFC50] =	vst v2;
	v2 =	vld [tilespmem:s0+$0x420]  }
0x5c: {  	s9 =	sadd.s32 $0x80, s9;
	s3 =	sand.u32 $0x300, s10;
	v7 =	vld [tilespmem:s0+$0xFFFFFFC0];
	[tilespmem:s25+$0xFFFFFC60] =	vst v9;
	s0 =	sadd.s32 $0x80, s0  }
0x5d: {  	[tilespmem:s25+$0x0] =	vst v6  }
0x5e: {  	[tilespmem:s25+$0x10] =	vst v5  }
0x5f: {  	v49 =	vld [tilespmem:s0+$0x430];
	[tilespmem:s25+$0x20] =	vst v3  }
0x60: {  	v50 =	vld [tilespmem:s0+$0xFFFFFFD0];
	[tilespmem:s25+$0x30] =	vst v4  }
0x61: {  	v51 =	vld [tilespmem:s0+$0xFFFFFFE0];
	[tilespmem:s25+$0x40] =	vst v1  }
0x62: {  	v52 =	vld [tilespmem:s0+$0xFFFFFFF0];
	[tilespmem:s25+$0x50] =	vst v2  }
0x63: {  	v53 =	vld [tilespmem:s0+$0x0];
	[tilespmem:s25+$0xFFFFFBF0] =	vst v7;
	s25 =	sadd.s32 $0x800, s25  }
0x64: {  	v54 =	vld [tilespmem:s0+$0x10];
	[tilespmem:s25+$0x60] =	vst v49  }
0x65: {  	v55 =	vld [tilespmem:s0+$0x20];
	[tilespmem:s25+$0xFFFFFC00] =	vst v50  }
0x66: {  	v56 =	vld [tilespmem:s0+$0x30];
	[tilespmem:s25+$0xFFFFFC10] =	vst v51  }
0x67: {  	v57 =	vld [tilespmem:s0+$0x3D0];
	[tilespmem:s25+$0xFFFFFC20] =	vst v52  }
0x68: {  	v58 =	vld [tilespmem:s0+$0x3E0];
	[tilespmem:s25+$0xFFFFFC30] =	vst v53  }
0x69: {  	v59 =	vld [tilespmem:s0+$0x3F0];
	[tilespmem:s25+$0xFFFFFC40] =	vst v54  }
0x6a: {  	v60 =	vld [tilespmem:s0+$0x400];
	[tilespmem:s25+$0xFFFFFC50] =	vst v55  }
0x6b: {  	v61 =	vld [tilespmem:s0+$0xFFFFFFC0];
	[tilespmem:s25+$0xFFFFFC60] =	vst v56  }
0x6c: {  	s9 =	sand.u32 $0x80, s10;
	s3 =	sadd.s32 s3, s26;
	v62 =	vld [tilespmem:s0+$0x410];
	[tilespmem:s25+$0x0] =	vst v57  }
0x6d: {  	v63 =	vld [tilespmem:s0+$0x420];
	s30 =	sadd.s32 $0x1, s30;
	s3 =	sadd.s32 s9, s3;
	[tilespmem:s25+$0x10] =	vst v58  }
0x6e: {  	p1 =	sne.s32 s30, $0x8;
	v0 =	vld.idx.msk [tilespmem:v0+s3+$0x400 ss:$0x1], $0xffff;
	[tilespmem:s25+$0x20] =	vst v59  }
.Ltmp4:
0x6f: {  	[tilespmem:s25+$0x30] =	vst v60;
	(pc) =	sbr.rel @p1 .LBB1_3-.Ltmp4, $4  }
0x70: {  	[tilespmem:s25+$0xFFFFFBF0] =	vst v61  }
0x71: {  	[tilespmem:s25+$0x40] =	vst v62  }
0x72: {  	s31 =	sadd.s32 $0x800, s31;
	s24 =	sadd.s32 $0x800, s24;
	[tilespmem:s25+$0x50] =	vst v63  }
0x73: {  	s29 =	sadd.s32 $0x80, s29;
	p0 =	por !p0, !p0;
	s2 =	sadd.s32 $0x80, s2;
	[tilespmem:s31+$0x0] =	vst v0  }
0x74: {  	s0 =	sshll.u32 s13, $0x9;
	s2 =	sshll.u32 s22, $0x3  }
0x75: {  	s3 =	sshll.u32 s13, $0x7;
	p0 =	sgt.s32 s14, $0xF;
	s9 =	sshra.s32 s14, $0x1F  }
0x76: {  	s10 =	smov.u32 s13;
	s27 =	sshra.s32 s13, $0x1F;
	p1 =	sgt.s32 s12, $0x2D  }
0x77: {  	s31 =	sshra.s32 s12, $0x1F;
	s0 =	sand.u32 $0xFFFFF000, s0;
	s25 =	sand.u32 $0x200, s3  }
0x78: {  	s9 =	sand.u32 s9, s14;
	s29 =	sand.u32 s27, s13;
	s22 =	sand.u32 s31, s12  }
0x79: {  	s27 =	sshll.u32 s13, $0x4;
	s0 =	sor.u32 s0, s2;
	s2 =	smov.u32 s14  }
0x7a: {  	s31 =	simm.s32 $0xF000;
	s0 =	sor.u32 s25, s0;
	s2 =	simm.s32 @!p0 $0xF  }
0x7b: {  	p0 =	sgt.s32 s13, $0x70;
	s25 =	smul.u32 $0x63600, s14;
	s0 =	sshrl.u32 s0, $0x9  }
0x7c: {  	s2 =	ssub.s32 s2, s9;
	s10 =	simm.s32 @!p0 $0x70;
	s26 =	smulhi.u32 $0x2222223, s0  }
0x7d: {  	s2 =	sadd.s32 $0xFFFFFFF1, s2;
	s9 =	ssub.s32 s10, s29;
	s10 =	smov.u32 s12  }
0x7e: {  	p0 =	sgt.s32 s2, $0x0;
	s30 =	sadd.s32 $0xFFFFFF90, s9;
	s10 =	simm.s32 @!p1 $0x2D  }
0x7f: {  	s2 =	sshll.u32 s2, $0x8;
	s9 =	ssub.s32 $0x78, s9;
	s3 =	smul.u32 $0x78, s26  }
0x80: {  	p1 =	sgt.s32 s30, $0x7;
	s2 =	ssub.s32 $0x100, s2;
	s10 =	ssub.s32 s10, s22  }
0x81: {  	s26 =	smul.u32 $0x1E00, s12;
	s9 =	simm.s32 @p1 $0x0;
	s2 =	simm.s32 @p0 $0x0  }
0x82: {  	s24 =	sadd.s32 $0xFFFFFFD3, s10;
	s2 =	smul.u32 s9, s2;
	s0 =	ssub.s32 s0, s3  }
0x83: {  	p0 =	sgt.s32 s24, $0x7;
	s3 =	ssub.s32 $0x35, s10;
	s24 =	rddreg [dreg:$0x1]  }
.Ltmp5:
0x84: {  	s3 =	simm.s32 @p0 $0x0;
	s9 =	sadd.s32 s24, s25;
	(pc) =	sbr.rel .LBB1_7-.Ltmp5, $4  }
0x85: {  	s29 =	sand.u32 $0x30, s27;
	s2 =	smul.u32 s3, s2;
	s9 =	sadd.s32 s26, s9  }
0x86: {  	s30 =	simm.s32 $0x800;
	s0 =	sshll.u32 s0, $0x6;
	s3 =	sadd.s32 s29, s9  }
0x87: {  	s24 =	stileid.u32;
	s2 =	sand.u32 $0x3FFFFF00, s2;
	s0 =	sadd.s32 s0, s3  }
0x88: {  	[hbm4b:s0+s30] =	stream.strided.scatter [tilespmem:s23], [sflag:$0x2], s2, s31, s30, $0x38;
	[tilespmem:$0x10000] =	vst v63  }
.LBB1_8:
0x89: {  	_ =	sfence.sel $0x180000  }
0x8a: {  	s0 =	simm.s32 $0x1;
	[bflag:$0x0] =	sbarrier.arrive $0xFFFF  }
0x8b: {  	s31 =	simm.s32 $0x2;
	[sflag:s0] =	ssyncpa.u1 $0x1  }
0x8c: {  	[sflag:s31] =	ssyncpa.u1 $0x1  }
0x8d: {  	_ =	strace $0x90000047  }
0x8e: {  	[bflag:$0x2] =	sbarrier.arrive $0xFFFF  }
0x8f: {  	p0 =	sne.s32 s24, $0x0;
	s0 =	rddreg [dreg:$0x2]  }
0x90: {  	s0 =	sadd.s32 @!p0 $0x100000, s0  }
0x91: {  	[sflag:s0] =	ssyncadd.tile.s32 @!p0 $0x1;
	_ =	shalt  }
.Lfunc_end1:
_tile_overlayer_lowered:
.L_overlay_start_2:
0x92: {  	(tag) =	ssettag $0x2  }
0x93: {  	s0 =	rddreg [dreg:$0x0];
	s2 =	stileid.u32  }
0x94: {  	s1 =	rddreg [dreg:$0x1];
	p0 =	sne.s32 s2, $0x0  }
0x95: {  	s3 =	rddreg [dreg:$0x2];
	[bflag:$0x3] =	sbarrier.arrive $0xFFFF;
	s2 =	simm.s32 @!p0 $0x1C01  }
0x96: {  	[timem:s3], [sflag:s2] =	dma.local @!p0 [hbm:s0], s1  }
0x97: {  	s0 =	simm.s32 @!p0 $0x1  }
0x98: {  	_ =	swait.ge @!p0 [sflag:s0], s1  }
0x99: {  	s1 =	ssub.s32 @!p0 $0x0, s1;
	[sflag:s0] =	ssyncset.done @!p0 $0x0  }
0x9a: {  	[sflag:s0] =	ssyncadd.s32 @!p0 s1  }
0x9b: {  	[bflag:$0x3] =	sbarrier.arrive $0xFFFF  }
0x9c: {  	_ =	shalt  }

</sc_bundles>
